<compile_context>
chip_gen: v7x
topology: tpu7x:2x2x1
jax: 0.10.2.dev20260603
libtpu: 0.0.44.dev20260713+nightly
codegen_flags: <defaults>
</compile_context>

<pallas_src>
import functools
import math

import jax
import jax.numpy as jnp
from jax import lax
from jax.experimental import pallas as pl
from jax.experimental.pallas import tpu as pltpu
from jax.experimental.pallas import tpu_sc as plsc

D_MODEL = 1024
D_MEM = 512
N_HEADS = 16
HEAD_DIM = D_MODEL // N_HEADS
K_RET = 32
CAPACITY = 100000
NEG = -1.0e30
FILL = -3.0e38


KEY_BLK = 2048
N_BLK = (CAPACITY + KEY_BLK - 1) // KEY_BLK
N_PAD = N_BLK * KEY_BLK


def _rsqrt_acc(n2):
    r0 = lax.rsqrt(n2)
    return r0 * (1.5 - 0.5 * n2 * r0 * r0)


def _score_body(x_ref, keys_ref, out_ref, q_acc):
    j = pl.program_id(0)

    @pl.when(j == 0)
    def _():
        q = jnp.sum(x_ref[...], axis=1)
        qn2 = jnp.maximum(jnp.sum(q * q, axis=1), 1e-24)
        q_acc[...] = q * _rsqrt_acc(qn2)[:, None]

    kb = keys_ref[...]
    acc = kb[:, 0:128] * kb[:, 0:128]
    for g in range(1, 8):
        c = kb[:, g * 128:(g + 1) * 128]
        acc = acc + c * c
    n2 = jnp.maximum(jnp.sum(acc, axis=1), 1e-24)
    knb = kb * _rsqrt_acc(n2)[:, None]
    res = lax.dot_general(knb, q_acc[...], (((1,), (1,)), ((), ())),
                          preferred_element_type=jnp.float32)

    @pl.when(j < N_BLK - 1)
    def _():
        out_ref[...] = res

    @pl.when(j == N_BLK - 1)
    def _():
        row = j * KEY_BLK + lax.broadcasted_iota(jnp.int32, res.shape, 0)
        out_ref[...] = jnp.where(row < CAPACITY, res, NEG)


def _scores(x, mem_keys):
    return pl.pallas_call(
        _score_body,
        grid=(N_BLK,),
        in_specs=[
            pl.BlockSpec(x.shape, lambda j: (0, 0, 0)),
            pl.BlockSpec((KEY_BLK, D_MODEL), lambda j: (j, 0)),
        ],
        out_specs=pl.BlockSpec((KEY_BLK, x.shape[0]), lambda j: (j, 0)),
        out_shape=jax.ShapeDtypeStruct((N_PAD, x.shape[0]), jnp.float32),
        scratch_shapes=[pltpu.VMEM((x.shape[0], D_MODEL), jnp.float32)],
    )(x, mem_keys)



L = 16
CHUNK = N_PAD // 16
NVREG = CHUNK // L


def _merge32(S0, I0, S1, I1, vd, vid):
    ta = S1 >= vd
    hi = jnp.where(ta, S1, vd)
    hi_i = jnp.where(ta, I1, vid)
    lo = jnp.where(ta, vd, S1)
    lo_i = jnp.where(ta, vid, I1)
    S1n, I1n = plsc.sort_key_val(hi, hi_i)
    lod, lod_i = plsc.sort_key_val(lo, lo_i, descending=True)
    tb = S0 >= lod
    hi2 = jnp.where(tb, S0, lod)
    hi2_i = jnp.where(tb, I0, lod_i)
    S0n, I0n = plsc.sort_key_val(hi2, hi2_i)
    return S0n, I0n, S1n, I1n


def _topk_init():
    return (jnp.full((L,), FILL, jnp.float32), jnp.zeros((L,), jnp.int32),
            jnp.full((L,), FILL, jnp.float32), jnp.zeros((L,), jnp.int32),
            jnp.float32(FILL))


def _topk_step(carry, v, vi):
    S0, I0, S1, I1, thr = carry
    vd, vid = plsc.sort_key_val(v, vi, descending=True)

    def do(_):
        S0n, I0n, S1n, I1n = _merge32(S0, I0, S1, I1, vd, vid)
        return (S0n, I0n, S1n, I1n, S0n[0])

    def skip(_):
        return (S0, I0, S1, I1, thr)

    return lax.cond(vd[0] > thr, do, skip, None)


def _topk_gather_body(sims_hbm, vals_hbm, out_hbm,
                      simbuf, stk, sti, shk, shi, ck, ci, rows, sem):
    b = lax.axis_index("c")
    s = lax.axis_index("s")
    base = (s * CHUNK).astype(jnp.int32)
    pltpu.sync_copy(sims_hbm.at[pl.ds(s * 2 * CHUNK, 2 * CHUNK)], simbuf)
    boff = jnp.full((L,), b, jnp.int32)

    def body(j, carry):
        ridx = j * L + lax.iota(jnp.int32, L)
        v = plsc.load_gather(simbuf, [2 * ridx + boff])
        vi = base + ridx
        return _topk_step(carry, v, vi)

    S0, I0, S1, I1, _ = lax.fori_loop(0, NVREG, body, _topk_init())

    stk[pl.ds(0, L)] = S0
    stk[pl.ds(L, L)] = S1
    sti[pl.ds(0, L)] = I0
    sti[pl.ds(L, L)] = I1
    pltpu.sync_copy(stk, shk.at[pl.ds(s * 2 * L, 2 * L)])
    pltpu.sync_copy(sti, shi.at[pl.ds(s * 2 * L, 2 * L)])
    plsc.subcore_barrier()

    @pl.when(s == 0)
    def _():
        pltpu.sync_copy(shk, ck)
        pltpu.sync_copy(shi, ci)

        def body2(m, carry):
            v = ck[pl.ds(m * L, L)]
            vi = ci[pl.ds(m * L, L)]
            return _topk_step(carry, v, vi)

        _, I0f, _, I1f, _ = lax.fori_loop(0, 2 * L, body2, _topk_init())
        sti[pl.ds(0, L)] = I0f
        sti[pl.ds(L, L)] = I1f
        pltpu.sync_copy(sti, shi.at[pl.ds(0, 2 * L)])
        pltpu.async_copy(vals_hbm.at[sti], rows, sem).wait()
        pltpu.sync_copy(rows, out_hbm.at[b])


def _topk_gather(sims_t, mem_values):
    B = sims_t.shape[1]
    sims_flat = sims_t.reshape(-1)
    mesh = plsc.VectorSubcoreMesh(core_axis_name="c", subcore_axis_name="s")
    f = functools.partial(
        pl.kernel,
        out_type=jax.ShapeDtypeStruct((B, K_RET, D_MEM), jnp.float32),
        mesh=mesh,
        compiler_params=pltpu.CompilerParams(needs_layout_passes=False),
        scratch_types=[
            pltpu.VMEM((2 * CHUNK,), jnp.float32),
            pltpu.VMEM((2 * L,), jnp.float32),
            pltpu.VMEM((2 * L,), jnp.int32),
            pltpu.VMEM_SHARED((16 * 2 * L,), jnp.float32),
            pltpu.VMEM_SHARED((16 * 2 * L,), jnp.int32),
            pltpu.VMEM((16 * 2 * L,), jnp.float32),
            pltpu.VMEM((16 * 2 * L,), jnp.int32),
            pltpu.VMEM((K_RET, D_MEM), jnp.float32),
            pltpu.SemaphoreType.DMA,
        ],
    )(_topk_gather_body)
    return f(sims_flat, mem_values)



T_BLK = 512
SCALE = 1.0 / math.sqrt(HEAD_DIM)


def _attn_body(x_ref, retr_ref, wq_ref, wk_ref, wv_ref, wo_ref, g_ref,
               out_ref):
    xb = x_ref[0]
    g = jax.nn.sigmoid(g_ref[0, 0])
    xb16 = xb.astype(jnp.bfloat16)
    q = lax.dot_general(xb16, wq_ref[...].astype(jnp.bfloat16),
                        (((1,), (1,)), ((), ())),
                        preferred_element_type=jnp.float32)
    retr = retr_ref[0].astype(jnp.bfloat16)
    kp = lax.dot_general(retr, wk_ref[...].astype(jnp.bfloat16),
                         (((1,), (1,)), ((), ())),
                         preferred_element_type=jnp.float32)
    v = lax.dot_general(retr, wv_ref[...].astype(jnp.bfloat16),
                        (((1,), (1,)), ((), ())),
                        preferred_element_type=jnp.float32)
    outs = []
    for h in range(N_HEADS):
        sl = slice(h * HEAD_DIM, (h + 1) * HEAD_DIM)
        sc = lax.dot_general(q[:, sl].astype(jnp.bfloat16),
                             kp[:, sl].astype(jnp.bfloat16),
                             (((1,), (1,)), ((), ())),
                             preferred_element_type=jnp.float32) * SCALE
        m = jnp.max(sc, axis=1, keepdims=True)
        p = jnp.exp(sc - m)
        pn = p / jnp.sum(p, axis=1, keepdims=True)
        outs.append(lax.dot_general(pn.astype(jnp.bfloat16),
                                    v[:, sl].astype(jnp.bfloat16),
                                    (((1,), (0,)), ((), ())),
                                    preferred_element_type=jnp.float32))
    ob = jnp.concatenate(outs, axis=1)
    ctx = lax.dot_general(ob.astype(jnp.bfloat16),
                          wo_ref[...].astype(jnp.bfloat16),
                          (((1,), (1,)), ((), ())),
                          preferred_element_type=jnp.float32)
    out_ref[0] = xb + g * ctx


def _attend(x, retrieved, Wq, Wk, Wv, Wo, gate_logit):
    B, T, _ = x.shape
    g2 = gate_logit.reshape(1, 1)
    return pl.pallas_call(
        _attn_body,
        grid=(B, T // T_BLK),
        in_specs=[
            pl.BlockSpec((1, T_BLK, D_MODEL), lambda b, t: (b, t, 0)),
            pl.BlockSpec((1, K_RET, D_MEM), lambda b, t: (b, 0, 0)),
            pl.BlockSpec((D_MODEL, D_MODEL), lambda b, t: (0, 0)),
            pl.BlockSpec((D_MODEL, D_MEM), lambda b, t: (0, 0)),
            pl.BlockSpec((D_MODEL, D_MEM), lambda b, t: (0, 0)),
            pl.BlockSpec((D_MODEL, D_MODEL), lambda b, t: (0, 0)),
            pl.BlockSpec((1, 1), lambda b, t: (0, 0)),
        ],
        out_specs=pl.BlockSpec((1, T_BLK, D_MODEL), lambda b, t: (b, t, 0)),
        out_shape=jax.ShapeDtypeStruct(x.shape, jnp.float32),
    )(x, retrieved, Wq, Wk, Wv, Wo, g2)


def kernel(x, mem_keys, mem_values, Wq, Wk, Wv, Wo, gate_logit):
    sims = _scores(x, mem_keys)
    retrieved = _topk_gather(sims, mem_values)
    return _attend(x, retrieved, Wq, Wk, Wv, Wo, gate_logit)

# --- scband reference (transcript-rebuilt; emitter-appended) ---
"""Pipeline reference for scband-ratlayer-50010599194892 (READ-ONLY COPY).

The authoritative reference and input builder live on the scoring server;
editing this copy changes nothing except your own understanding.
"""

import math
import jax, jax.numpy as jnp
import numpy as np

D_MODEL = 1024
D_MEM = 512
N_HEADS = 16
K_RET = 32
CAPACITY = 100000
B, T = 2, 2048


def setup_inputs(seed: int = 0) -> dict:
    key = jax.random.key(seed)
    ks = jax.random.split(key, 10)
    x = jax.random.normal(ks[0], (B, T, D_MODEL), dtype=jnp.float32)
    mem_keys = jax.random.normal(ks[1], (CAPACITY, D_MODEL), dtype=jnp.float32)
    mem_values = jax.random.normal(ks[2], (CAPACITY, D_MEM), dtype=jnp.float32)
    Wq = jax.random.normal(ks[3], (D_MODEL, D_MODEL), dtype=jnp.float32) * (1.0 / math.sqrt(D_MODEL))
    Wk = jax.random.normal(ks[4], (D_MODEL, D_MEM), dtype=jnp.float32) * (1.0 / math.sqrt(D_MEM))
    Wv = jax.random.normal(ks[5], (D_MODEL, D_MEM), dtype=jnp.float32) * (1.0 / math.sqrt(D_MEM))
    Wo = jax.random.normal(ks[6], (D_MODEL, D_MODEL), dtype=jnp.float32) * (1.0 / math.sqrt(D_MODEL))
    gate_logit = jnp.zeros((1,), dtype=jnp.float32)
    return {"x": x, "mem_keys": mem_keys, "mem_values": mem_values,
            "Wq": Wq, "Wk": Wk, "Wv": Wv, "Wo": Wo, "gate_logit": gate_logit}


def _normalize(v, axis=-1, eps=1e-12):
    n = jnp.linalg.norm(v, axis=axis, keepdims=True)
    return v / jnp.maximum(n, eps)


def reference(x, mem_keys, mem_values, Wq, Wk, Wv, Wo, gate_logit):
    Bq, Tq, d_model = x.shape
    H = N_HEADS
    hd = d_model // H
    scale = math.sqrt(hd)
    # --- memory bank retrieval (cosine top-k) ---
    q = x.mean(axis=1)                     # (B, d_model)
    qn = _normalize(q)
    kn = _normalize(mem_keys)
    sims = qn @ kn.T                       # (B, capacity)
    _, idx = jax.lax.top_k(sims, K_RET)    # (B, K)
    retrieved = jnp.take(mem_values, idx, axis=0)  # (B, K, d_mem)
    # --- cross-attention retriever ---
    Q = x @ Wq.T                           # (B, T, d_model)
    Kp = retrieved @ Wk.T                  # (B, K, d_model)
    V = retrieved @ Wv.T                   # (B, K, d_model)
    Q = Q.reshape(Bq, Tq, H, hd).transpose(0, 2, 1, 3)
    Kp = Kp.reshape(Bq, K_RET, H, hd).transpose(0, 2, 1, 3)
    V = V.reshape(Bq, K_RET, H, hd).transpose(0, 2, 1, 3)
    aw = (Q @ jnp.swapaxes(Kp, -2, -1)) / scale
    aw = jax.nn.softmax(aw, axis=-1)
    out = aw @ V
    out = out.transpose(0, 2, 1, 3).reshape(Bq, Tq, d_model)
    ctx = out @ Wo.T
    gate = jax.nn.sigmoid(gate_logit)
    return x + gate * ctx

if __name__ == "__main__":
    import jax
    _d = setup_inputs()
    print(jax.jit(kernel)(*tuple(_d.values())))

</pallas_src>

<mosaic_0001>
#map = affine_map<(d0, d1) -> (0)>
#map1 = affine_map<(d0, d1) -> (0, 0)>
#map2 = affine_map<(d0, d1) -> (0, 0, 0)>
module attributes {stable_mosaic.version = 14 : i64} {
  func.func @_topk_gather_body(%arg0: i32, %arg1: i32, %arg2: memref<200704xf32, #tpu.memory_space<hbm>>, %arg3: memref<100000x512xf32, #tpu.memory_space<hbm>>, %arg4: memref<2x32x512xf32, #tpu.memory_space<hbm>>, %arg5: memref<12544xf32, #tpu.memory_space<vmem>>, %arg6: memref<32xf32, #tpu.memory_space<vmem>>, %arg7: memref<32xi32, #tpu.memory_space<vmem>>, %arg8: memref<512xf32, #tpu.memory_space<vmem_shared>>, %arg9: memref<512xi32, #tpu.memory_space<vmem_shared>>, %arg10: memref<512xf32, #tpu.memory_space<vmem>>, %arg11: memref<512xi32, #tpu.memory_space<vmem>>, %arg12: memref<32x512xf32, #tpu.memory_space<vmem>>, %arg13: memref<!tpu.dma_semaphore, #tpu.memory_space<semaphore_mem>>) attributes {dimension_semantics = [#tpu.dimension_semantics<core_parallel>, #tpu.dimension_semantics<subcore_parallel>], iteration_bounds = array<i64: 2, 16>, scalar_prefetch = 0 : i64, scratch_operands = 9 : i64, tpu.core_type = #tpu.core_type<sc_vector_subcore>, window_params = [{transform_indices = #map}, {transform_indices = #map1}, {transform_indices = #map2}]} {
    %mul3A = arith.constant 6272 : i32
    %mul3A_0 = arith.muli %arg1, %mul3A : i32
    %mul3A_1 = arith.constant 2 : i32
    %mul3A_2 = arith.muli %arg1, %mul3A_1 : i32
    %mul3A_3 = arith.constant 6272 : i32
    %mul3A_4 = arith.muli %mul3A_2, %mul3A_3 : i32
    "tpu.region"() ({
      %run_scoped3A = tpu.sem_alloc : memref<!tpu.dma_semaphore, #tpu.memory_space<semaphore_mem>>
      %dma_start3A = tpu.memref_slice %arg2[%mul3A_4] : memref<200704xf32, #tpu.memory_space<hbm>> -> memref<12544xf32, #tpu.memory_space<hbm>>
      %dma_start3A_36 = tpu.memref_slice %arg2[%mul3A_4] : memref<200704xf32, #tpu.memory_space<hbm>> -> memref<12544xf32, #tpu.memory_space<hbm>>
      tpu.enqueue_dma source(%dma_start3A_36 : memref<12544xf32, #tpu.memory_space<hbm>>) target(%arg5 : memref<12544xf32, #tpu.memory_space<vmem>>) target_semaphore(%run_scoped3A : memref<!tpu.dma_semaphore, #tpu.memory_space<semaphore_mem>>)
      %dma_wait3A = tpu.memref_slice %arg2[%mul3A_4] : memref<200704xf32, #tpu.memory_space<hbm>> -> memref<12544xf32, #tpu.memory_space<hbm>>
      %dma_wait3A_37 = tpu.memref_slice %arg2[%mul3A_4] : memref<200704xf32, #tpu.memory_space<hbm>> -> memref<12544xf32, #tpu.memory_space<hbm>>
      tpu.wait_dma2 semaphore(%run_scoped3A : memref<!tpu.dma_semaphore, #tpu.memory_space<semaphore_mem>>) src(%dma_wait3A_37 : memref<12544xf32, #tpu.memory_space<hbm>>) dst(%arg5 : memref<12544xf32, #tpu.memory_space<vmem>>)
      tpu.yield
    }) : () -> ()
    %broadcast_in_dim3A = vector.broadcast %arg0 : i32 to vector<16xi32>
    %broadcast_in_dim3A_5 = arith.constant -3.000000e+38 : f32
    %broadcast_in_dim3A_6 = vector.broadcast %broadcast_in_dim3A_5 : f32 to vector<16xf32>
    %broadcast_in_dim3A_7 = arith.constant 0 : i32
    %broadcast_in_dim3A_8 = vector.broadcast %broadcast_in_dim3A_7 : i32 to vector<16xi32>
    %broadcast_in_dim3A_9 = arith.constant -3.000000e+38 : f32
    %broadcast_in_dim3A_10 = vector.broadcast %broadcast_in_dim3A_9 : f32 to vector<16xf32>
    %broadcast_in_dim3A_11 = arith.constant 0 : i32
    %broadcast_in_dim3A_12 = vector.broadcast %broadcast_in_dim3A_11 : i32 to vector<16xi32>
    %scan3A = arith.constant -3.000000e+38 : f32
    %scan3A_13 = arith.constant 0 : i32
    %scan3A_14 = arith.constant 392 : i32
    %scan3A_15 = arith.addi %scan3A_13, %scan3A_14 : i32
    %scan3A_16 = arith.constant 1 : i32
    %scan3A_17:5 = scf.for %scan3A_36 = %scan3A_13 to %scan3A_15 step %scan3A_16 iter_args(%scan3A_37 = %broadcast_in_dim3A_6, %scan3A_38 = %broadcast_in_dim3A_8, %scan3A_39 = %broadcast_in_dim3A_10, %scan3A_40 = %broadcast_in_dim3A_12, %scan3A_41 = %scan3A) -> (vector<16xf32>, vector<16xi32>, vector<16xf32>, vector<16xi32>, f32)  : i32 {
      %mul3A_42 = arith.constant 16 : i32
      %mul3A_43 = arith.muli %scan3A_36, %mul3A_42 : i32
      %iota3A = tpu.iota {dimensions = array<i32: 0>} : vector<16xi32>
      %add3A = vector.broadcast %mul3A_43 : i32 to vector<16xi32>
      %add3A_44 = arith.addi %add3A, %iota3A : vector<16xi32>
      %mul3A_45 = arith.constant 2 : i32
      %mul3A_46 = vector.broadcast %mul3A_45 : i32 to vector<16xi32>
      %mul3A_47 = arith.muli %mul3A_46, %add3A_44 : vector<16xi32>
      %add3A_48 = arith.addi %mul3A_47, %broadcast_in_dim3A : vector<16xi32>
      %gather3A = tpu.vector_load_idx %arg5[%add3A_48] : memref<12544xf32, #tpu.memory_space<vmem>>[vector<16xi32>], vector<16xf32>,
      %add3A_49 = vector.broadcast %mul3A_0 : i32 to vector<16xi32>
      %add3A_50 = arith.addi %add3A_49, %add3A_44 : vector<16xi32>
      %masked_sort3A = arith.constant dense<true> : vector<16xi1>
      %masked_sort3A_51, %masked_sort3A_52, %masked_sort3A_53 = tpu.sort %gather3A, %add3A_50 masked %masked_sort3A {descending = true} : (vector<16xf32>, vector<16xi32>, vector<16xi1>) -> (vector<16xi1>, vector<16xf32>, vector<16xi32>)
      %slice3A = vector.extract_strided_slice %masked_sort3A_52 {offsets = [0], sizes = [1], strides = [1]} : vector<16xf32> to vector<1xf32>
      %squeeze3A = vector.extract %slice3A[0] : f32 from vector<1xf32>
      %gt3A = arith.cmpf ogt, %squeeze3A, %scan3A_41 : f32
      %convert_element_type3A_54 = arith.extui %gt3A : i1 to i32
      %cond3A_55 = arith.constant 0 : i32
      %cond3A_56 = arith.cmpi ne, %convert_element_type3A_54, %cond3A_55 : i32
      %cond3A_57:5 = scf.if %cond3A_56 -> (vector<16xf32>, vector<16xi32>, vector<16xf32>, vector<16xi32>, f32) {
        %ge3A = arith.cmpf oge, %scan3A_39, %masked_sort3A_52 : vector<16xf32>
        %select_n3A = arith.select %ge3A, %scan3A_39, %masked_sort3A_52 : vector<16xi1>, vector<16xf32>
        %select_n3A_58 = arith.select %ge3A, %scan3A_40, %masked_sort3A_53 : vector<16xi1>, vector<16xi32>
        %select_n3A_59 = arith.select %ge3A, %masked_sort3A_52, %scan3A_39 : vector<16xi1>, vector<16xf32>
        %select_n3A_60 = arith.select %ge3A, %masked_sort3A_53, %scan3A_40 : vector<16xi1>, vector<16xi32>
        %masked_sort3A_61 = arith.constant dense<true> : vector<16xi1>
        %masked_sort3A_62, %masked_sort3A_63, %masked_sort3A_64 = tpu.sort %select_n3A, %select_n3A_58 masked %masked_sort3A_61 : (vector<16xf32>, vector<16xi32>, vector<16xi1>) -> (vector<16xi1>, vector<16xf32>, vector<16xi32>)
        %masked_sort3A_65 = arith.constant dense<true> : vector<16xi1>
        %masked_sort3A_66, %masked_sort3A_67, %masked_sort3A_68 = tpu.sort %select_n3A_59, %select_n3A_60 masked %masked_sort3A_65 {descending = true} : (vector<16xf32>, vector<16xi32>, vector<16xi1>) -> (vector<16xi1>, vector<16xf32>, vector<16xi32>)
        %ge3A_69 = arith.cmpf oge, %scan3A_37, %masked_sort3A_67 : vector<16xf32>
        %select_n3A_70 = arith.select %ge3A_69, %scan3A_37, %masked_sort3A_67 : vector<16xi1>, vector<16xf32>
        %select_n3A_71 = arith.select %ge3A_69, %scan3A_38, %masked_sort3A_68 : vector<16xi1>, vector<16xi32>
        %masked_sort3A_72 = arith.constant dense<true> : vector<16xi1>
        %masked_sort3A_73, %masked_sort3A_74, %masked_sort3A_75 = tpu.sort %select_n3A_70, %select_n3A_71 masked %masked_sort3A_72 : (vector<16xf32>, vector<16xi32>, vector<16xi1>) -> (vector<16xi1>, vector<16xf32>, vector<16xi32>)
        %slice3A_76 = vector.extract_strided_slice %masked_sort3A_74 {offsets = [0], sizes = [1], strides = [1]} : vector<16xf32> to vector<1xf32>
        %squeeze3A_77 = vector.extract %slice3A_76[0] : f32 from vector<1xf32>
        scf.yield %masked_sort3A_74, %masked_sort3A_75, %masked_sort3A_63, %masked_sort3A_64, %squeeze3A_77 : vector<16xf32>, vector<16xi32>, vector<16xf32>, vector<16xi32>, f32
      } else {
        scf.yield %scan3A_37, %scan3A_38, %scan3A_39, %scan3A_40, %scan3A_41 : vector<16xf32>, vector<16xi32>, vector<16xf32>, vector<16xi32>, f32
      }
      scf.yield %cond3A_57#0, %cond3A_57#1, %cond3A_57#2, %cond3A_57#3, %cond3A_57#4 : vector<16xf32>, vector<16xi32>, vector<16xf32>, vector<16xi32>, f32
    }
    %scan3A_18 = arith.constant 392 : i32
    %swap3A = arith.constant 0 : index
    %swap3A_19 = tpu.vector_load %arg6[%swap3A] {strides = array<i32>} : memref<32xf32, #tpu.memory_space<vmem>>, vector<16xf32>,
    tpu.vector_store %arg6[%swap3A], %scan3A_17#0 {strides = array<i32>} : memref<32xf32, #tpu.memory_space<vmem>>, vector<16xf32>,
    %swap3A_20 = arith.constant 16 : index
    %swap3A_21 = tpu.vector_load %arg6[%swap3A_20] {strides = array<i32>} : memref<32xf32, #tpu.memory_space<vmem>>, vector<16xf32>,
    tpu.vector_store %arg6[%swap3A_20], %scan3A_17#2 {strides = array<i32>} : memref<32xf32, #tpu.memory_space<vmem>>, vector<16xf32>,
    %swap3A_22 = arith.constant 0 : index
    %swap3A_23 = tpu.vector_load %arg7[%swap3A_22] {strides = array<i32>} : memref<32xi32, #tpu.memory_space<vmem>>, vector<16xi32>,
    tpu.vector_store %arg7[%swap3A_22], %scan3A_17#1 {strides = array<i32>} : memref<32xi32, #tpu.memory_space<vmem>>, vector<16xi32>,
    %swap3A_24 = arith.constant 16 : index
    %swap3A_25 = tpu.vector_load %arg7[%swap3A_24] {strides = array<i32>} : memref<32xi32, #tpu.memory_space<vmem>>, vector<16xi32>,
    tpu.vector_store %arg7[%swap3A_24], %scan3A_17#3 {strides = array<i32>} : memref<32xi32, #tpu.memory_space<vmem>>, vector<16xi32>,
    %mul3A_26 = arith.constant 2 : i32
    %mul3A_27 = arith.muli %arg1, %mul3A_26 : i32
    %mul3A_28 = arith.constant 16 : i32
    %mul3A_29 = arith.muli %mul3A_27, %mul3A_28 : i32
    "tpu.region"() ({
      %run_scoped3A = tpu.sem_alloc : memref<!tpu.dma_semaphore, #tpu.memory_space<semaphore_mem>>
      %dma_start3A = tpu.memref_slice %arg8[%mul3A_29] : memref<512xf32, #tpu.memory_space<vmem_shared>> -> memref<32xf32, #tpu.memory_space<vmem_shared>>
      %dma_start3A_36 = tpu.memref_slice %arg8[%mul3A_29] : memref<512xf32, #tpu.memory_space<vmem_shared>> -> memref<32xf32, #tpu.memory_space<vmem_shared>>
      tpu.enqueue_dma source(%arg6 : memref<32xf32, #tpu.memory_space<vmem>>) target(%dma_start3A_36 : memref<32xf32, #tpu.memory_space<vmem_shared>>) target_semaphore(%run_scoped3A : memref<!tpu.dma_semaphore, #tpu.memory_space<semaphore_mem>>)
      %dma_wait3A = tpu.memref_slice %arg8[%mul3A_29] : memref<512xf32, #tpu.memory_space<vmem_shared>> -> memref<32xf32, #tpu.memory_space<vmem_shared>>
      %dma_wait3A_37 = tpu.memref_slice %arg8[%mul3A_29] : memref<512xf32, #tpu.memory_space<vmem_shared>> -> memref<32xf32, #tpu.memory_space<vmem_shared>>
      tpu.wait_dma2 semaphore(%run_scoped3A : memref<!tpu.dma_semaphore, #tpu.memory_space<semaphore_mem>>) src(%arg6 : memref<32xf32, #tpu.memory_space<vmem>>) dst(%dma_wait3A_37 : memref<32xf32, #tpu.memory_space<vmem_shared>>)
      tpu.yield
    }) : () -> ()
    %mul3A_30 = arith.constant 2 : i32
    %mul3A_31 = arith.muli %arg1, %mul3A_30 : i32
    %mul3A_32 = arith.constant 16 : i32
    %mul3A_33 = arith.muli %mul3A_31, %mul3A_32 : i32
    "tpu.region"() ({
      %run_scoped3A = tpu.sem_alloc : memref<!tpu.dma_semaphore, #tpu.memory_space<semaphore_mem>>
      %dma_start3A = tpu.memref_slice %arg9[%mul3A_33] : memref<512xi32, #tpu.memory_space<vmem_shared>> -> memref<32xi32, #tpu.memory_space<vmem_shared>>
      %dma_start3A_36 = tpu.memref_slice %arg9[%mul3A_33] : memref<512xi32, #tpu.memory_space<vmem_shared>> -> memref<32xi32, #tpu.memory_space<vmem_shared>>
      tpu.enqueue_dma source(%arg7 : memref<32xi32, #tpu.memory_space<vmem>>) target(%dma_start3A_36 : memref<32xi32, #tpu.memory_space<vmem_shared>>) target_semaphore(%run_scoped3A : memref<!tpu.dma_semaphore, #tpu.memory_space<semaphore_mem>>)
      %dma_wait3A = tpu.memref_slice %arg9[%mul3A_33] : memref<512xi32, #tpu.memory_space<vmem_shared>> -> memref<32xi32, #tpu.memory_space<vmem_shared>>
      %dma_wait3A_37 = tpu.memref_slice %arg9[%mul3A_33] : memref<512xi32, #tpu.memory_space<vmem_shared>> -> memref<32xi32, #tpu.memory_space<vmem_shared>>
      tpu.wait_dma2 semaphore(%run_scoped3A : memref<!tpu.dma_semaphore, #tpu.memory_space<semaphore_mem>>) src(%arg7 : memref<32xi32, #tpu.memory_space<vmem>>) dst(%dma_wait3A_37 : memref<32xi32, #tpu.memory_space<vmem_shared>>)
      tpu.yield
    }) : () -> ()
    %barrier3A = arith.constant 0 : index
    tpu.barrier barrier_id(%barrier3A)
    %eq3A = arith.constant 0 : i32
    %eq3A_34 = arith.cmpi eq, %arg1, %eq3A : i32
    %convert_element_type3A = arith.extui %eq3A_34 : i1 to i32
    %cond3A = arith.constant 0 : i32
    %cond3A_35 = arith.cmpi ne, %convert_element_type3A, %cond3A : i32
    scf.if %cond3A_35 {
      "tpu.region"() ({
        %run_scoped3A = tpu.sem_alloc : memref<!tpu.dma_semaphore, #tpu.memory_space<semaphore_mem>>
        tpu.enqueue_dma source(%arg8 : memref<512xf32, #tpu.memory_space<vmem_shared>>) target(%arg10 : memref<512xf32, #tpu.memory_space<vmem>>) target_semaphore(%run_scoped3A : memref<!tpu.dma_semaphore, #tpu.memory_space<semaphore_mem>>)
        tpu.wait_dma2 semaphore(%run_scoped3A : memref<!tpu.dma_semaphore, #tpu.memory_space<semaphore_mem>>) src(%arg8 : memref<512xf32, #tpu.memory_space<vmem_shared>>) dst(%arg10 : memref<512xf32, #tpu.memory_space<vmem>>)
        tpu.yield
      }) : () -> ()
      "tpu.region"() ({
        %run_scoped3A = tpu.sem_alloc : memref<!tpu.dma_semaphore, #tpu.memory_space<semaphore_mem>>
        tpu.enqueue_dma source(%arg9 : memref<512xi32, #tpu.memory_space<vmem_shared>>) target(%arg11 : memref<512xi32, #tpu.memory_space<vmem>>) target_semaphore(%run_scoped3A : memref<!tpu.dma_semaphore, #tpu.memory_space<semaphore_mem>>)
        tpu.wait_dma2 semaphore(%run_scoped3A : memref<!tpu.dma_semaphore, #tpu.memory_space<semaphore_mem>>) src(%arg9 : memref<512xi32, #tpu.memory_space<vmem_shared>>) dst(%arg11 : memref<512xi32, #tpu.memory_space<vmem>>)
        tpu.yield
      }) : () -> ()
      %broadcast_in_dim3A_36 = arith.constant -3.000000e+38 : f32
      %broadcast_in_dim3A_37 = vector.broadcast %broadcast_in_dim3A_36 : f32 to vector<16xf32>
      %broadcast_in_dim3A_38 = arith.constant 0 : i32
      %broadcast_in_dim3A_39 = vector.broadcast %broadcast_in_dim3A_38 : i32 to vector<16xi32>
      %broadcast_in_dim3A_40 = arith.constant -3.000000e+38 : f32
      %broadcast_in_dim3A_41 = vector.broadcast %broadcast_in_dim3A_40 : f32 to vector<16xf32>
      %broadcast_in_dim3A_42 = arith.constant 0 : i32
      %broadcast_in_dim3A_43 = vector.broadcast %broadcast_in_dim3A_42 : i32 to vector<16xi32>
      %scan3A_44 = arith.constant -3.000000e+38 : f32
      %scan3A_45 = arith.constant 0 : i32
      %scan3A_46 = arith.constant 32 : i32
      %scan3A_47 = arith.addi %scan3A_45, %scan3A_46 : i32
      %scan3A_48 = arith.constant 1 : i32
      %scan3A_49:5 = scf.for %scan3A_59 = %scan3A_45 to %scan3A_47 step %scan3A_48 iter_args(%scan3A_60 = %broadcast_in_dim3A_37, %scan3A_61 = %broadcast_in_dim3A_39, %scan3A_62 = %broadcast_in_dim3A_41, %scan3A_63 = %broadcast_in_dim3A_43, %scan3A_64 = %scan3A_44) -> (vector<16xf32>, vector<16xi32>, vector<16xf32>, vector<16xi32>, f32)  : i32 {
        %mul3A_65 = arith.constant 16 : i32
        %mul3A_66 = arith.muli %scan3A_59, %mul3A_65 : i32
        %get3A = arith.index_cast %mul3A_66 : i32 to index
        %get3A_67 = tpu.vector_load %arg10[%get3A] {strides = array<i32>} : memref<512xf32, #tpu.memory_space<vmem>>, vector<16xf32>,
        %mul3A_68 = arith.constant 16 : i32
        %mul3A_69 = arith.muli %scan3A_59, %mul3A_68 : i32
        %get3A_70 = arith.index_cast %mul3A_69 : i32 to index
        %get3A_71 = tpu.vector_load %arg11[%get3A_70] {strides = array<i32>} : memref<512xi32, #tpu.memory_space<vmem>>, vector<16xi32>,
        %masked_sort3A = arith.constant dense<true> : vector<16xi1>
        %masked_sort3A_72, %masked_sort3A_73, %masked_sort3A_74 = tpu.sort %get3A_67, %get3A_71 masked %masked_sort3A {descending = true} : (vector<16xf32>, vector<16xi32>, vector<16xi1>) -> (vector<16xi1>, vector<16xf32>, vector<16xi32>)
        %slice3A = vector.extract_strided_slice %masked_sort3A_73 {offsets = [0], sizes = [1], strides = [1]} : vector<16xf32> to vector<1xf32>
        %squeeze3A = vector.extract %slice3A[0] : f32 from vector<1xf32>
        %gt3A = arith.cmpf ogt, %squeeze3A, %scan3A_64 : f32
        %convert_element_type3A_75 = arith.extui %gt3A : i1 to i32
        %cond3A_76 = arith.constant 0 : i32
        %cond3A_77 = arith.cmpi ne, %convert_element_type3A_75, %cond3A_76 : i32
        %cond3A_78:5 = scf.if %cond3A_77 -> (vector<16xf32>, vector<16xi32>, vector<16xf32>, vector<16xi32>, f32) {
          %ge3A = arith.cmpf oge, %scan3A_62, %masked_sort3A_73 : vector<16xf32>
          %select_n3A = arith.select %ge3A, %scan3A_62, %masked_sort3A_73 : vector<16xi1>, vector<16xf32>
          %select_n3A_79 = arith.select %ge3A, %scan3A_63, %masked_sort3A_74 : vector<16xi1>, vector<16xi32>
          %select_n3A_80 = arith.select %ge3A, %masked_sort3A_73, %scan3A_62 : vector<16xi1>, vector<16xf32>
          %select_n3A_81 = arith.select %ge3A, %masked_sort3A_74, %scan3A_63 : vector<16xi1>, vector<16xi32>
          %masked_sort3A_82 = arith.constant dense<true> : vector<16xi1>
          %masked_sort3A_83, %masked_sort3A_84, %masked_sort3A_85 = tpu.sort %select_n3A, %select_n3A_79 masked %masked_sort3A_82 : (vector<16xf32>, vector<16xi32>, vector<16xi1>) -> (vector<16xi1>, vector<16xf32>, vector<16xi32>)
          %masked_sort3A_86 = arith.constant dense<true> : vector<16xi1>
          %masked_sort3A_87, %masked_sort3A_88, %masked_sort3A_89 = tpu.sort %select_n3A_80, %select_n3A_81 masked %masked_sort3A_86 {descending = true} : (vector<16xf32>, vector<16xi32>, vector<16xi1>) -> (vector<16xi1>, vector<16xf32>, vector<16xi32>)
          %ge3A_90 = arith.cmpf oge, %scan3A_60, %masked_sort3A_88 : vector<16xf32>
          %select_n3A_91 = arith.select %ge3A_90, %scan3A_60, %masked_sort3A_88 : vector<16xi1>, vector<16xf32>
          %select_n3A_92 = arith.select %ge3A_90, %scan3A_61, %masked_sort3A_89 : vector<16xi1>, vector<16xi32>
          %masked_sort3A_93 = arith.constant dense<true> : vector<16xi1>
          %masked_sort3A_94, %masked_sort3A_95, %masked_sort3A_96 = tpu.sort %select_n3A_91, %select_n3A_92 masked %masked_sort3A_93 : (vector<16xf32>, vector<16xi32>, vector<16xi1>) -> (vector<16xi1>, vector<16xf32>, vector<16xi32>)
          %slice3A_97 = vector.extract_strided_slice %masked_sort3A_95 {offsets = [0], sizes = [1], strides = [1]} : vector<16xf32> to vector<1xf32>
          %squeeze3A_98 = vector.extract %slice3A_97[0] : f32 from vector<1xf32>
          scf.yield %masked_sort3A_95, %masked_sort3A_96, %masked_sort3A_84, %masked_sort3A_85, %squeeze3A_98 : vector<16xf32>, vector<16xi32>, vector<16xf32>, vector<16xi32>, f32
        } else {
          scf.yield %scan3A_60, %scan3A_61, %scan3A_62, %scan3A_63, %scan3A_64 : vector<16xf32>, vector<16xi32>, vector<16xf32>, vector<16xi32>, f32
        }
        scf.yield %cond3A_78#0, %cond3A_78#1, %cond3A_78#2, %cond3A_78#3, %cond3A_78#4 : vector<16xf32>, vector<16xi32>, vector<16xf32>, vector<16xi32>, f32
      }
      %scan3A_50 = arith.constant 32 : i32
      %swap3A_51 = arith.constant 0 : index
      %swap3A_52 = tpu.vector_load %arg7[%swap3A_51] {strides = array<i32>} : memref<32xi32, #tpu.memory_space<vmem>>, vector<16xi32>,
      tpu.vector_store %arg7[%swap3A_51], %scan3A_49#1 {strides = array<i32>} : memref<32xi32, #tpu.memory_space<vmem>>, vector<16xi32>,
      %swap3A_53 = arith.constant 16 : index
      %swap3A_54 = tpu.vector_load %arg7[%swap3A_53] {strides = array<i32>} : memref<32xi32, #tpu.memory_space<vmem>>, vector<16xi32>,
      tpu.vector_store %arg7[%swap3A_53], %scan3A_49#3 {strides = array<i32>} : memref<32xi32, #tpu.memory_space<vmem>>, vector<16xi32>,
      "tpu.region"() ({
        %run_scoped3A = tpu.sem_alloc : memref<!tpu.dma_semaphore, #tpu.memory_space<semaphore_mem>>
        %dma_start3A_59 = arith.constant 0 : i32
        %dma_start3A_60 = tpu.memref_slice %arg9[%dma_start3A_59] : memref<512xi32, #tpu.memory_space<vmem_shared>> -> memref<32xi32, #tpu.memory_space<vmem_shared>>
        %dma_start3A_61 = arith.constant 0 : i32
        %dma_start3A_62 = tpu.memref_slice %arg9[%dma_start3A_61] : memref<512xi32, #tpu.memory_space<vmem_shared>> -> memref<32xi32, #tpu.memory_space<vmem_shared>>
        tpu.enqueue_dma source(%arg7 : memref<32xi32, #tpu.memory_space<vmem>>) target(%dma_start3A_62 : memref<32xi32, #tpu.memory_space<vmem_shared>>) target_semaphore(%run_scoped3A : memref<!tpu.dma_semaphore, #tpu.memory_space<semaphore_mem>>)
        %dma_wait3A_63 = arith.constant 0 : i32
        %dma_wait3A_64 = tpu.memref_slice %arg9[%dma_wait3A_63] : memref<512xi32, #tpu.memory_space<vmem_shared>> -> memref<32xi32, #tpu.memory_space<vmem_shared>>
        %dma_wait3A_65 = arith.constant 0 : i32
        %dma_wait3A_66 = tpu.memref_slice %arg9[%dma_wait3A_65] : memref<512xi32, #tpu.memory_space<vmem_shared>> -> memref<32xi32, #tpu.memory_space<vmem_shared>>
        tpu.wait_dma2 semaphore(%run_scoped3A : memref<!tpu.dma_semaphore, #tpu.memory_space<semaphore_mem>>) src(%arg7 : memref<32xi32, #tpu.memory_space<vmem>>) dst(%dma_wait3A_66 : memref<32xi32, #tpu.memory_space<vmem_shared>>)
        tpu.yield
      }) : () -> ()
      %dma_start3A = arith.constant 0 : i32
      %dma_start3A_55 = arith.constant 0 : i32
      %dma_start3A_56 = tpu.memref_slice %arg3[%dma_start3A, %dma_start3A_55] : memref<100000x512xf32, #tpu.memory_space<hbm>> -> memref<100000x512xf32, #tpu.memory_space<hbm>>
      tpu.enqueue_indirect_dma source(%dma_start3A_56 : memref<100000x512xf32, #tpu.memory_space<hbm>>) target(%arg12 : memref<32x512xf32, #tpu.memory_space<vmem>>) offsets(%arg7 : memref<32xi32, #tpu.memory_space<vmem>>) semaphore(%arg13 : memref<!tpu.dma_semaphore, #tpu.memory_space<semaphore_mem>>)
      %dma_wait3A = arith.constant 0 : i32
      %dma_wait3A_57 = arith.constant 0 : i32
      %dma_wait3A_58 = tpu.memref_slice %arg3[%dma_wait3A, %dma_wait3A_57] : memref<100000x512xf32, #tpu.memory_space<hbm>> -> memref<100000x512xf32, #tpu.memory_space<hbm>>
      tpu.wait_indirect_dma semaphore(%arg13 : memref<!tpu.dma_semaphore, #tpu.memory_space<semaphore_mem>>) src(%dma_wait3A_58 : memref<100000x512xf32, #tpu.memory_space<hbm>>) dst(%arg12 : memref<32x512xf32, #tpu.memory_space<vmem>>)
      "tpu.region"() ({
        %run_scoped3A = tpu.sem_alloc : memref<!tpu.dma_semaphore, #tpu.memory_space<semaphore_mem>>
        %dma_start3A_59 = arith.constant 0 : i32
        %dma_start3A_60 = arith.constant 0 : i32
        %dma_start3A_61 = tpu.memref_slice %arg4[%arg0, %dma_start3A_59, %dma_start3A_60] : memref<2x32x512xf32, #tpu.memory_space<hbm>> -> memref<1x32x512xf32, #tpu.memory_space<hbm>>
        %dma_start3A_62 = tpu.memref_squeeze %dma_start3A_61 : memref<1x32x512xf32, #tpu.memory_space<hbm>> -> memref<32x512xf32, #tpu.memory_space<hbm>>
        %dma_start3A_63 = arith.constant 0 : i32
        %dma_start3A_64 = arith.constant 0 : i32
        %dma_start3A_65 = tpu.memref_slice %arg4[%arg0, %dma_start3A_63, %dma_start3A_64] : memref<2x32x512xf32, #tpu.memory_space<hbm>> -> memref<1x32x512xf32, #tpu.memory_space<hbm>>
        %dma_start3A_66 = tpu.memref_squeeze %dma_start3A_65 : memref<1x32x512xf32, #tpu.memory_space<hbm>> -> memref<32x512xf32, #tpu.memory_space<hbm>>
        tpu.enqueue_dma source(%arg12 : memref<32x512xf32, #tpu.memory_space<vmem>>) target(%dma_start3A_66 : memref<32x512xf32, #tpu.memory_space<hbm>>) target_semaphore(%run_scoped3A : memref<!tpu.dma_semaphore, #tpu.memory_space<semaphore_mem>>)
        %dma_wait3A_67 = arith.constant 0 : i32
        %dma_wait3A_68 = arith.constant 0 : i32
        %dma_wait3A_69 = tpu.memref_slice %arg4[%arg0, %dma_wait3A_67, %dma_wait3A_68] : memref<2x32x512xf32, #tpu.memory_space<hbm>> -> memref<1x32x512xf32, #tpu.memory_space<hbm>>
        %dma_wait3A_70 = tpu.memref_squeeze %dma_wait3A_69 : memref<1x32x512xf32, #tpu.memory_space<hbm>> -> memref<32x512xf32, #tpu.memory_space<hbm>>
        %dma_wait3A_71 = arith.constant 0 : i32
        %dma_wait3A_72 = arith.constant 0 : i32
        %dma_wait3A_73 = tpu.memref_slice %arg4[%arg0, %dma_wait3A_71, %dma_wait3A_72] : memref<2x32x512xf32, #tpu.memory_space<hbm>> -> memref<1x32x512xf32, #tpu.memory_space<hbm>>
        %dma_wait3A_74 = tpu.memref_squeeze %dma_wait3A_73 : memref<1x32x512xf32, #tpu.memory_space<hbm>> -> memref<32x512xf32, #tpu.memory_space<hbm>>
        tpu.wait_dma2 semaphore(%run_scoped3A : memref<!tpu.dma_semaphore, #tpu.memory_space<semaphore_mem>>) src(%arg12 : memref<32x512xf32, #tpu.memory_space<vmem>>) dst(%dma_wait3A_74 : memref<32x512xf32, #tpu.memory_space<hbm>>)
        tpu.yield
      }) : () -> ()
    } else {
    }
    return
  }
}

module attributes {stable_mosaic.version = 14 : i64} {
  func.func @_score_body(%arg0: i32, %arg1: memref<2x2048x1024xf32, #tpu.memory_space<vmem>>, %arg2: memref<2048x1024xf32, #tpu.memory_space<vmem>>, %arg3: memref<2048x2xf32, #tpu.memory_space<vmem>>, %arg4: memref<2x1024xf32, #tpu.memory_space<vmem>>) attributes {dimension_semantics = [#tpu.dimension_semantics<arbitrary>], iteration_bounds = array<i64: 49>, scalar_prefetch = 0 : i64, scratch_operands = 1 : i64, tpu.core_type = #tpu.core_type<tc>, window_params = [{pipeline_mode = #tpu.pipeline_mode<synchronous>, transform_indices = @transform_0, window_bounds = array<i64: 2, 2048, 1024>}, {transform_indices = @transform_1, window_bounds = array<i64: 2048, 1024>}, {transform_indices = @transform_2, window_bounds = array<i64: 2048, 2>}]} {
    %eq3A = arith.constant 0 : i32
    %eq3A_0 = arith.cmpi eq, %arg0, %eq3A : i32
    %convert_element_type3A = arith.extui %eq3A_0 : i1 to i32
    %cond3A = arith.constant 0 : i32
    %cond3A_1 = arith.cmpi ne, %convert_element_type3A, %cond3A : i32
    scf.if %cond3A_1 {
      %get3A_51 = arith.constant 0 : index
      %get3A_52 = arith.constant 0 : index
      %get3A_53 = arith.constant 0 : index
      %get3A_54 = vector.load %arg1[%get3A_51, %get3A_52, %get3A_53] : memref<2x2048x1024xf32, #tpu.memory_space<vmem>>, vector<2x2048x1024xf32>
      %reduce_sum3A_55 = arith.constant dense<0.000000e+00> : vector<2x1024xf32>
      %reduce_sum3A_56 = vector.multi_reduction <add>, %get3A_54, %reduce_sum3A_55 [1] : vector<2x2048x1024xf32> to vector<2x1024xf32>
      %mul3A_57 = arith.mulf %reduce_sum3A_56, %reduce_sum3A_56 : vector<2x1024xf32>
      %reduce_sum3A_58 = arith.constant dense<0.000000e+00> : vector<2xf32>
      %reduce_sum3A_59 = vector.multi_reduction <add>, %mul3A_57, %reduce_sum3A_58 [1] : vector<2x1024xf32> to vector<2xf32>
      %max3A_60 = arith.constant 1.000000e-24 : f32
      %max3A_61 = vector.broadcast %max3A_60 : f32 to vector<2xf32>
      %max3A_62 = arith.maximumf %reduce_sum3A_59, %max3A_61 : vector<2xf32>
      %rsqrt3A_63 = math.rsqrt %max3A_62 : vector<2xf32>
      %mul3A_64 = arith.constant 5.000000e-01 : f32
      %mul3A_65 = vector.broadcast %mul3A_64 : f32 to vector<2xf32>
      %mul3A_66 = arith.mulf %mul3A_65, %max3A_62 : vector<2xf32>
      %mul3A_67 = arith.mulf %mul3A_66, %rsqrt3A_63 : vector<2xf32>
      %mul3A_68 = arith.mulf %mul3A_67, %rsqrt3A_63 : vector<2xf32>
      %sub3A_69 = arith.constant 1.500000e+00 : f32
      %sub3A_70 = vector.broadcast %sub3A_69 : f32 to vector<2xf32>
      %sub3A_71 = arith.subf %sub3A_70, %mul3A_68 : vector<2xf32>
      %mul3A_72 = arith.mulf %rsqrt3A_63, %sub3A_71 : vector<2xf32>
      %broadcast_in_dim3A_73 = vector.shape_cast %mul3A_72 : vector<2xf32> to vector<2x1xf32>
      %mul3A_74 = vector.broadcast %broadcast_in_dim3A_73 : vector<2x1xf32> to vector<2x1024xf32>
      %mul3A_75 = arith.mulf %reduce_sum3A_56, %mul3A_74 : vector<2x1024xf32>
      %swap3A = arith.constant 0 : index
      %swap3A_76 = arith.constant 0 : index
      %swap3A_77 = vector.load %arg4[%swap3A, %swap3A_76] : memref<2x1024xf32, #tpu.memory_space<vmem>>, vector<2x1024xf32>
      tpu.vector_store %arg4[%swap3A, %swap3A_76], %mul3A_75 {strides = array<i32>} : memref<2x1024xf32, #tpu.memory_space<vmem>>, vector<2x1024xf32>,
    } else {
    }
    %get3A = arith.constant 0 : index
    %get3A_2 = arith.constant 0 : index
    %get3A_3 = vector.load %arg2[%get3A, %get3A_2] : memref<2048x1024xf32, #tpu.memory_space<vmem>>, vector<2048x1024xf32>
    %slice3A = vector.extract_strided_slice %get3A_3 {offsets = [0, 0], sizes = [2048, 128], strides = [1, 1]} : vector<2048x1024xf32> to vector<2048x128xf32>
    %slice3A_4 = vector.extract_strided_slice %get3A_3 {offsets = [0, 0], sizes = [2048, 128], strides = [1, 1]} : vector<2048x1024xf32> to vector<2048x128xf32>
    %mul3A = arith.mulf %slice3A, %slice3A_4 : vector<2048x128xf32>
    %slice3A_5 = vector.extract_strided_slice %get3A_3 {offsets = [0, 128], sizes = [2048, 128], strides = [1, 1]} : vector<2048x1024xf32> to vector<2048x128xf32>
    %mul3A_6 = arith.mulf %slice3A_5, %slice3A_5 : vector<2048x128xf32>
    %add3A = arith.addf %mul3A, %mul3A_6 : vector<2048x128xf32>
    %slice3A_7 = vector.extract_strided_slice %get3A_3 {offsets = [0, 256], sizes = [2048, 128], strides = [1, 1]} : vector<2048x1024xf32> to vector<2048x128xf32>
    %mul3A_8 = arith.mulf %slice3A_7, %slice3A_7 : vector<2048x128xf32>
    %add3A_9 = arith.addf %add3A, %mul3A_8 : vector<2048x128xf32>
    %slice3A_10 = vector.extract_strided_slice %get3A_3 {offsets = [0, 384], sizes = [2048, 128], strides = [1, 1]} : vector<2048x1024xf32> to vector<2048x128xf32>
    %mul3A_11 = arith.mulf %slice3A_10, %slice3A_10 : vector<2048x128xf32>
    %add3A_12 = arith.addf %add3A_9, %mul3A_11 : vector<2048x128xf32>
    %slice3A_13 = vector.extract_strided_slice %get3A_3 {offsets = [0, 512], sizes = [2048, 128], strides = [1, 1]} : vector<2048x1024xf32> to vector<2048x128xf32>
    %mul3A_14 = arith.mulf %slice3A_13, %slice3A_13 : vector<2048x128xf32>
    %add3A_15 = arith.addf %add3A_12, %mul3A_14 : vector<2048x128xf32>
    %slice3A_16 = vector.extract_strided_slice %get3A_3 {offsets = [0, 640], sizes = [2048, 128], strides = [1, 1]} : vector<2048x1024xf32> to vector<2048x128xf32>
    %mul3A_17 = arith.mulf %slice3A_16, %slice3A_16 : vector<2048x128xf32>
    %add3A_18 = arith.addf %add3A_15, %mul3A_17 : vector<2048x128xf32>
    %slice3A_19 = vector.extract_strided_slice %get3A_3 {offsets = [0, 768], sizes = [2048, 128], strides = [1, 1]} : vector<2048x1024xf32> to vector<2048x128xf32>
    %mul3A_20 = arith.mulf %slice3A_19, %slice3A_19 : vector<2048x128xf32>
    %add3A_21 = arith.addf %add3A_18, %mul3A_20 : vector<2048x128xf32>
    %slice3A_22 = vector.extract_strided_slice %get3A_3 {offsets = [0, 896], sizes = [2048, 128], strides = [1, 1]} : vector<2048x1024xf32> to vector<2048x128xf32>
    %mul3A_23 = arith.mulf %slice3A_22, %slice3A_22 : vector<2048x128xf32>
    %add3A_24 = arith.addf %add3A_21, %mul3A_23 : vector<2048x128xf32>
    %reduce_sum3A = arith.constant dense<0.000000e+00> : vector<2048xf32>
    %reduce_sum3A_25 = vector.multi_reduction <add>, %add3A_24, %reduce_sum3A [1] : vector<2048x128xf32> to vector<2048xf32>
    %max3A = arith.constant 1.000000e-24 : f32
    %max3A_26 = vector.broadcast %max3A : f32 to vector<2048xf32>
    %max3A_27 = arith.maximumf %reduce_sum3A_25, %max3A_26 : vector<2048xf32>
    %rsqrt3A = math.rsqrt %max3A_27 : vector<2048xf32>
    %mul3A_28 = arith.constant 5.000000e-01 : f32
    %mul3A_29 = vector.broadcast %mul3A_28 : f32 to vector<2048xf32>
    %mul3A_30 = arith.mulf %mul3A_29, %max3A_27 : vector<2048xf32>
    %mul3A_31 = arith.mulf %mul3A_30, %rsqrt3A : vector<2048xf32>
    %mul3A_32 = arith.mulf %mul3A_31, %rsqrt3A : vector<2048xf32>
    %sub3A = arith.constant 1.500000e+00 : f32
    %sub3A_33 = vector.broadcast %sub3A : f32 to vector<2048xf32>
    %sub3A_34 = arith.subf %sub3A_33, %mul3A_32 : vector<2048xf32>
    %mul3A_35 = arith.mulf %rsqrt3A, %sub3A_34 : vector<2048xf32>
    %broadcast_in_dim3A = vector.shape_cast %mul3A_35 : vector<2048xf32> to vector<2048x1xf32>
    %mul3A_36 = vector.broadcast %broadcast_in_dim3A : vector<2048x1xf32> to vector<2048x1024xf32>
    %mul3A_37 = arith.mulf %get3A_3, %mul3A_36 : vector<2048x1024xf32>
    %get3A_38 = arith.constant 0 : index
    %get3A_39 = arith.constant 0 : index
    %get3A_40 = vector.load %arg4[%get3A_38, %get3A_39] : memref<2x1024xf32, #tpu.memory_space<vmem>>, vector<2x1024xf32>
    %dot_general3A = arith.constant dense<0.000000e+00> : vector<2048x2xf32>
    %dot_general3A_41 = tpu.matmul %mul3A_37, %get3A_40, %dot_general3A {dimension_numbers = #tpu.dot_dimension_numbers<[1], [1], [0], [0], [0, 0, 1, 0], [], []>, transpose_lhs_hint = false} : vector<2048x1024xf32>, vector<2x1024xf32>, vector<2048x2xf32> -> vector<2048x2xf32>
    %lt3A = arith.constant 48 : i32
    %lt3A_42 = arith.cmpi slt, %arg0, %lt3A : i32
    %convert_element_type3A_43 = arith.extui %lt3A_42 : i1 to i32
    %cond3A_44 = arith.constant 0 : i32
    %cond3A_45 = arith.cmpi ne, %convert_element_type3A_43, %cond3A_44 : i32
    scf.if %cond3A_45 {
      %swap3A = arith.constant 0 : index
      %swap3A_51 = arith.constant 0 : index
      %swap3A_52 = vector.load %arg3[%swap3A, %swap3A_51] : memref<2048x2xf32, #tpu.memory_space<vmem>>, vector<2048x2xf32>
      tpu.vector_store %arg3[%swap3A, %swap3A_51], %dot_general3A_41 {strides = array<i32>} : memref<2048x2xf32, #tpu.memory_space<vmem>>, vector<2048x2xf32>,
    } else {
    }
    %eq3A_46 = arith.constant 48 : i32
    %eq3A_47 = arith.cmpi eq, %arg0, %eq3A_46 : i32
    %convert_element_type3A_48 = arith.extui %eq3A_47 : i1 to i32
    %cond3A_49 = arith.constant 0 : i32
    %cond3A_50 = arith.cmpi ne, %convert_element_type3A_48, %cond3A_49 : i32
    scf.if %cond3A_50 {
      %mul3A_51 = arith.constant 2048 : i32
      %mul3A_52 = arith.muli %arg0, %mul3A_51 : i32
      %iota3A = tpu.iota {dimensions = array<i32: 0>} : vector<2048x2xi32>
      %add3A_53 = vector.broadcast %mul3A_52 : i32 to vector<2048x2xi32>
      %add3A_54 = arith.addi %add3A_53, %iota3A : vector<2048x2xi32>
      %lt3A_55 = arith.constant 100000 : i32
      %lt3A_56 = vector.broadcast %lt3A_55 : i32 to vector<2048x2xi32>
      %lt3A_57 = arith.cmpi slt, %add3A_54, %lt3A_56 : vector<2048x2xi32>
      %jit3A = arith.constant -1.000000e+30 : f32
      %broadcast_in_dim3A_58 = vector.broadcast %jit3A : f32 to vector<2048x2xf32>
      %select_n3A = arith.select %lt3A_57, %dot_general3A_41, %broadcast_in_dim3A_58 : vector<2048x2xi1>, vector<2048x2xf32>
      %swap3A = arith.constant 0 : index
      %swap3A_59 = arith.constant 0 : index
      %swap3A_60 = vector.load %arg3[%swap3A, %swap3A_59] : memref<2048x2xf32, #tpu.memory_space<vmem>>, vector<2048x2xf32>
      tpu.vector_store %arg3[%swap3A, %swap3A_59], %select_n3A {strides = array<i32>} : memref<2048x2xf32, #tpu.memory_space<vmem>>, vector<2048x2xf32>,
    } else {
    }
    return
  }
  func.func @transform_0(%arg0: i32) -> (i32, i32, i32) {
    %c0_i32 = arith.constant 0 : i32
    %c0_i32_0 = arith.constant 0 : i32
    %c0_i32_1 = arith.constant 0 : i32
    %c0_i32_2 = arith.constant 0 : i32
    return %c0_i32, %c0_i32_0, %c0_i32_1 : i32, i32, i32
  }
  func.func @transform_1(%arg0: i32) -> (i32, i32) {
    %c0_i32 = arith.constant 0 : i32
    %c0_i32_0 = arith.constant 0 : i32
    return %arg0, %c0_i32 : i32, i32
  }
  func.func @transform_2(%arg0: i32) -> (i32, i32) {
    %c0_i32 = arith.constant 0 : i32
    %c0_i32_0 = arith.constant 0 : i32
    return %arg0, %c0_i32 : i32, i32
  }
}

module attributes {stable_mosaic.version = 14 : i64} {
  func.func @_attn_body(%arg0: i32, %arg1: i32, %arg2: memref<1x512x1024xf32, #tpu.memory_space<vmem>>, %arg3: memref<1x32x512xf32, #tpu.memory_space<vmem>>, %arg4: memref<1024x1024xf32, #tpu.memory_space<vmem>>, %arg5: memref<1024x512xf32, #tpu.memory_space<vmem>>, %arg6: memref<1024x512xf32, #tpu.memory_space<vmem>>, %arg7: memref<1024x1024xf32, #tpu.memory_space<vmem>>, %arg8: memref<1x1xf32, #tpu.memory_space<vmem>>, %arg9: memref<1x512x1024xf32, #tpu.memory_space<vmem>>) attributes {dimension_semantics = [#tpu.dimension_semantics<arbitrary>, #tpu.dimension_semantics<arbitrary>], iteration_bounds = array<i64: 2, 4>, scalar_prefetch = 0 : i64, scratch_operands = 0 : i64, tpu.core_type = #tpu.core_type<tc>, window_params = [{transform_indices = @transform_0, window_bounds = array<i64: 1, 512, 1024>}, {transform_indices = @transform_1, window_bounds = array<i64: 1, 32, 512>}, {pipeline_mode = #tpu.pipeline_mode<synchronous>, transform_indices = @transform_2, window_bounds = array<i64: 1024, 1024>}, {pipeline_mode = #tpu.pipeline_mode<synchronous>, transform_indices = @transform_3, window_bounds = array<i64: 1024, 512>}, {pipeline_mode = #tpu.pipeline_mode<synchronous>, transform_indices = @transform_4, window_bounds = array<i64: 1024, 512>}, {pipeline_mode = #tpu.pipeline_mode<synchronous>, transform_indices = @transform_5, window_bounds = array<i64: 1024, 1024>}, {pipeline_mode = #tpu.pipeline_mode<synchronous>, transform_indices = @transform_6, window_bounds = array<i64: 1, 1>}, {transform_indices = @transform_7, window_bounds = array<i64: 1, 512, 1024>}]} {
    %get3A = arith.constant 0 : index
    %get3A_0 = arith.constant 0 : index
    %get3A_1 = arith.constant 0 : index
    %get3A_2 = vector.load %arg2[%get3A, %get3A_0, %get3A_1] : memref<1x512x1024xf32, #tpu.memory_space<vmem>>, vector<1x512x1024xf32>
    %get3A_3 = vector.shape_cast %get3A_2 : vector<1x512x1024xf32> to vector<512x1024xf32>
    %get3A_4 = arith.constant 0 : index
    %get3A_5 = arith.constant 0 : index
    %get3A_6 = vector.load %arg8[%get3A_4, %get3A_5] : memref<1x1xf32, #tpu.memory_space<vmem>>, vector<1x1xf32>
    %get3A_7 = vector.extract %get3A_6[0, 0] : f32 from vector<1x1xf32>
    %logistic3A = arith.negf %get3A_7 : f32
    %logistic3A_8 = math.exp %logistic3A : f32
    %logistic3A_9 = arith.constant 1.000000e+00 : f32
    %logistic3A_10 = arith.addf %logistic3A_9, %logistic3A_8 : f32
    %logistic3A_11 = arith.divf %logistic3A_9, %logistic3A_10 : f32
    %convert_element_type3A = arith.truncf %get3A_3 : vector<512x1024xf32> to vector<512x1024xbf16>
    %get3A_12 = arith.constant 0 : index
    %get3A_13 = arith.constant 0 : index
    %get3A_14 = vector.load %arg4[%get3A_12, %get3A_13] : memref<1024x1024xf32, #tpu.memory_space<vmem>>, vector<1024x1024xf32>
    %convert_element_type3A_15 = arith.truncf %get3A_14 : vector<1024x1024xf32> to vector<1024x1024xbf16>
    %dot_general3A = arith.constant dense<0.000000e+00> : vector<512x1024xf32>
    %dot_general3A_16 = tpu.matmul %convert_element_type3A, %convert_element_type3A_15, %dot_general3A {dimension_numbers = #tpu.dot_dimension_numbers<[1], [1], [0], [0], [0, 0, 1, 0], [], []>, transpose_lhs_hint = false} : vector<512x1024xbf16>, vector<1024x1024xbf16>, vector<512x1024xf32> -> vector<512x1024xf32>
    %get3A_17 = arith.constant 0 : index
    %get3A_18 = arith.constant 0 : index
    %get3A_19 = arith.constant 0 : index
    %get3A_20 = vector.load %arg3[%get3A_17, %get3A_18, %get3A_19] : memref<1x32x512xf32, #tpu.memory_space<vmem>>, vector<1x32x512xf32>
    %get3A_21 = vector.shape_cast %get3A_20 : vector<1x32x512xf32> to vector<32x512xf32>
    %convert_element_type3A_22 = arith.truncf %get3A_21 : vector<32x512xf32> to vector<32x512xbf16>
    %get3A_23 = arith.constant 0 : index
    %get3A_24 = arith.constant 0 : index
    %get3A_25 = vector.load %arg5[%get3A_23, %get3A_24] : memref<1024x512xf32, #tpu.memory_space<vmem>>, vector<1024x512xf32>
    %convert_element_type3A_26 = arith.truncf %get3A_25 : vector<1024x512xf32> to vector<1024x512xbf16>
    %dot_general3A_27 = arith.constant dense<0.000000e+00> : vector<32x1024xf32>
    %dot_general3A_28 = tpu.matmul %convert_element_type3A_22, %convert_element_type3A_26, %dot_general3A_27 {dimension_numbers = #tpu.dot_dimension_numbers<[1], [1], [0], [0], [0, 0, 1, 0], [], []>, transpose_lhs_hint = false} : vector<32x512xbf16>, vector<1024x512xbf16>, vector<32x1024xf32> -> vector<32x1024xf32>
    %get3A_29 = arith.constant 0 : index
    %get3A_30 = arith.constant 0 : index
    %get3A_31 = vector.load %arg6[%get3A_29, %get3A_30] : memref<1024x512xf32, #tpu.memory_space<vmem>>, vector<1024x512xf32>
    %convert_element_type3A_32 = arith.truncf %get3A_31 : vector<1024x512xf32> to vector<1024x512xbf16>
    %dot_general3A_33 = arith.constant dense<0.000000e+00> : vector<32x1024xf32>
    %dot_general3A_34 = tpu.matmul %convert_element_type3A_22, %convert_element_type3A_32, %dot_general3A_33 {dimension_numbers = #tpu.dot_dimension_numbers<[1], [1], [0], [0], [0, 0, 1, 0], [], []>, transpose_lhs_hint = false} : vector<32x512xbf16>, vector<1024x512xbf16>, vector<32x1024xf32> -> vector<32x1024xf32>
    %slice3A = vector.extract_strided_slice %dot_general3A_16 {offsets = [0, 0], sizes = [512, 64], strides = [1, 1]} : vector<512x1024xf32> to vector<512x64xf32>
    %convert_element_type3A_35 = arith.truncf %slice3A : vector<512x64xf32> to vector<512x64xbf16>
    %slice3A_36 = vector.extract_strided_slice %dot_general3A_28 {offsets = [0, 0], sizes = [32, 64], strides = [1, 1]} : vector<32x1024xf32> to vector<32x64xf32>
    %convert_element_type3A_37 = arith.truncf %slice3A_36 : vector<32x64xf32> to vector<32x64xbf16>
    %dot_general3A_38 = arith.constant dense<0.000000e+00> : vector<512x32xf32>
    %dot_general3A_39 = tpu.matmul %convert_element_type3A_35, %convert_element_type3A_37, %dot_general3A_38 {dimension_numbers = #tpu.dot_dimension_numbers<[1], [1], [0], [0], [0, 0, 1, 0], [], []>, transpose_lhs_hint = false} : vector<512x64xbf16>, vector<32x64xbf16>, vector<512x32xf32> -> vector<512x32xf32>
    %mul3A = arith.constant 1.250000e-01 : f32
    %mul3A_40 = vector.broadcast %mul3A : f32 to vector<512x32xf32>
    %mul3A_41 = arith.mulf %dot_general3A_39, %mul3A_40 : vector<512x32xf32>
    %reduce_max3A = arith.constant dense<0xFF800000> : vector<512xf32>
    %reduce_max3A_42 = vector.multi_reduction <maximumf>, %mul3A_41, %reduce_max3A [1] : vector<512x32xf32> to vector<512xf32>
    %broadcast_in_dim3A = vector.shape_cast %reduce_max3A_42 : vector<512xf32> to vector<512x1xf32>
    %sub3A = vector.broadcast %broadcast_in_dim3A : vector<512x1xf32> to vector<512x32xf32>
    %sub3A_43 = arith.subf %mul3A_41, %sub3A : vector<512x32xf32>
    %exp3A = math.exp %sub3A_43 : vector<512x32xf32>
    %reduce_sum3A = arith.constant dense<0.000000e+00> : vector<512xf32>
    %reduce_sum3A_44 = vector.multi_reduction <add>, %exp3A, %reduce_sum3A [1] : vector<512x32xf32> to vector<512xf32>
    %broadcast_in_dim3A_45 = vector.shape_cast %reduce_sum3A_44 : vector<512xf32> to vector<512x1xf32>
    %div3A = vector.broadcast %broadcast_in_dim3A_45 : vector<512x1xf32> to vector<512x32xf32>
    %div3A_46 = arith.divf %exp3A, %div3A : vector<512x32xf32>
    %convert_element_type3A_47 = arith.truncf %div3A_46 : vector<512x32xf32> to vector<512x32xbf16>
    %slice3A_48 = vector.extract_strided_slice %dot_general3A_34 {offsets = [0, 0], sizes = [32, 64], strides = [1, 1]} : vector<32x1024xf32> to vector<32x64xf32>
    %convert_element_type3A_49 = arith.truncf %slice3A_48 : vector<32x64xf32> to vector<32x64xbf16>
    %dot_general3A_50 = arith.constant dense<0.000000e+00> : vector<512x64xf32>
    %dot_general3A_51 = tpu.matmul %convert_element_type3A_47, %convert_element_type3A_49, %dot_general3A_50 {dimension_numbers = #tpu.dot_dimension_numbers<[1], [0], [0], [1], [0, 0, 1, 1], [], []>, transpose_lhs_hint = false} : vector<512x32xbf16>, vector<32x64xbf16>, vector<512x64xf32> -> vector<512x64xf32>
    %slice3A_52 = vector.extract_strided_slice %dot_general3A_16 {offsets = [0, 64], sizes = [512, 64], strides = [1, 1]} : vector<512x1024xf32> to vector<512x64xf32>
    %convert_element_type3A_53 = arith.truncf %slice3A_52 : vector<512x64xf32> to vector<512x64xbf16>
    %slice3A_54 = vector.extract_strided_slice %dot_general3A_28 {offsets = [0, 64], sizes = [32, 64], strides = [1, 1]} : vector<32x1024xf32> to vector<32x64xf32>
    %convert_element_type3A_55 = arith.truncf %slice3A_54 : vector<32x64xf32> to vector<32x64xbf16>
    %dot_general3A_56 = arith.constant dense<0.000000e+00> : vector<512x32xf32>
    %dot_general3A_57 = tpu.matmul %convert_element_type3A_53, %convert_element_type3A_55, %dot_general3A_56 {dimension_numbers = #tpu.dot_dimension_numbers<[1], [1], [0], [0], [0, 0, 1, 0], [], []>, transpose_lhs_hint = false} : vector<512x64xbf16>, vector<32x64xbf16>, vector<512x32xf32> -> vector<512x32xf32>
    %mul3A_58 = arith.constant 1.250000e-01 : f32
    %mul3A_59 = vector.broadcast %mul3A_58 : f32 to vector<512x32xf32>
    %mul3A_60 = arith.mulf %dot_general3A_57, %mul3A_59 : vector<512x32xf32>
    %reduce_max3A_61 = arith.constant dense<0xFF800000> : vector<512xf32>
    %reduce_max3A_62 = vector.multi_reduction <maximumf>, %mul3A_60, %reduce_max3A_61 [1] : vector<512x32xf32> to vector<512xf32>
    %broadcast_in_dim3A_63 = vector.shape_cast %reduce_max3A_62 : vector<512xf32> to vector<512x1xf32>
    %sub3A_64 = vector.broadcast %broadcast_in_dim3A_63 : vector<512x1xf32> to vector<512x32xf32>
    %sub3A_65 = arith.subf %mul3A_60, %sub3A_64 : vector<512x32xf32>
    %exp3A_66 = math.exp %sub3A_65 : vector<512x32xf32>
    %reduce_sum3A_67 = arith.constant dense<0.000000e+00> : vector<512xf32>
    %reduce_sum3A_68 = vector.multi_reduction <add>, %exp3A_66, %reduce_sum3A_67 [1] : vector<512x32xf32> to vector<512xf32>
    %broadcast_in_dim3A_69 = vector.shape_cast %reduce_sum3A_68 : vector<512xf32> to vector<512x1xf32>
    %div3A_70 = vector.broadcast %broadcast_in_dim3A_69 : vector<512x1xf32> to vector<512x32xf32>
    %div3A_71 = arith.divf %exp3A_66, %div3A_70 : vector<512x32xf32>
    %convert_element_type3A_72 = arith.truncf %div3A_71 : vector<512x32xf32> to vector<512x32xbf16>
    %slice3A_73 = vector.extract_strided_slice %dot_general3A_34 {offsets = [0, 64], sizes = [32, 64], strides = [1, 1]} : vector<32x1024xf32> to vector<32x64xf32>
    %convert_element_type3A_74 = arith.truncf %slice3A_73 : vector<32x64xf32> to vector<32x64xbf16>
    %dot_general3A_75 = arith.constant dense<0.000000e+00> : vector<512x64xf32>
    %dot_general3A_76 = tpu.matmul %convert_element_type3A_72, %convert_element_type3A_74, %dot_general3A_75 {dimension_numbers = #tpu.dot_dimension_numbers<[1], [0], [0], [1], [0, 0, 1, 1], [], []>, transpose_lhs_hint = false} : vector<512x32xbf16>, vector<32x64xbf16>, vector<512x64xf32> -> vector<512x64xf32>
    %slice3A_77 = vector.extract_strided_slice %dot_general3A_16 {offsets = [0, 128], sizes = [512, 64], strides = [1, 1]} : vector<512x1024xf32> to vector<512x64xf32>
    %convert_element_type3A_78 = arith.truncf %slice3A_77 : vector<512x64xf32> to vector<512x64xbf16>
    %slice3A_79 = vector.extract_strided_slice %dot_general3A_28 {offsets = [0, 128], sizes = [32, 64], strides = [1, 1]} : vector<32x1024xf32> to vector<32x64xf32>
    %convert_element_type3A_80 = arith.truncf %slice3A_79 : vector<32x64xf32> to vector<32x64xbf16>
    %dot_general3A_81 = arith.constant dense<0.000000e+00> : vector<512x32xf32>
    %dot_general3A_82 = tpu.matmul %convert_element_type3A_78, %convert_element_type3A_80, %dot_general3A_81 {dimension_numbers = #tpu.dot_dimension_numbers<[1], [1], [0], [0], [0, 0, 1, 0], [], []>, transpose_lhs_hint = false} : vector<512x64xbf16>, vector<32x64xbf16>, vector<512x32xf32> -> vector<512x32xf32>
    %mul3A_83 = arith.constant 1.250000e-01 : f32
    %mul3A_84 = vector.broadcast %mul3A_83 : f32 to vector<512x32xf32>
    %mul3A_85 = arith.mulf %dot_general3A_82, %mul3A_84 : vector<512x32xf32>
    %reduce_max3A_86 = arith.constant dense<0xFF800000> : vector<512xf32>
    %reduce_max3A_87 = vector.multi_reduction <maximumf>, %mul3A_85, %reduce_max3A_86 [1] : vector<512x32xf32> to vector<512xf32>
    %broadcast_in_dim3A_88 = vector.shape_cast %reduce_max3A_87 : vector<512xf32> to vector<512x1xf32>
    %sub3A_89 = vector.broadcast %broadcast_in_dim3A_88 : vector<512x1xf32> to vector<512x32xf32>
    %sub3A_90 = arith.subf %mul3A_85, %sub3A_89 : vector<512x32xf32>
    %exp3A_91 = math.exp %sub3A_90 : vector<512x32xf32>
    %reduce_sum3A_92 = arith.constant dense<0.000000e+00> : vector<512xf32>
    %reduce_sum3A_93 = vector.multi_reduction <add>, %exp3A_91, %reduce_sum3A_92 [1] : vector<512x32xf32> to vector<512xf32>
    %broadcast_in_dim3A_94 = vector.shape_cast %reduce_sum3A_93 : vector<512xf32> to vector<512x1xf32>
    %div3A_95 = vector.broadcast %broadcast_in_dim3A_94 : vector<512x1xf32> to vector<512x32xf32>
    %div3A_96 = arith.divf %exp3A_91, %div3A_95 : vector<512x32xf32>
    %convert_element_type3A_97 = arith.truncf %div3A_96 : vector<512x32xf32> to vector<512x32xbf16>
    %slice3A_98 = vector.extract_strided_slice %dot_general3A_34 {offsets = [0, 128], sizes = [32, 64], strides = [1, 1]} : vector<32x1024xf32> to vector<32x64xf32>
    %convert_element_type3A_99 = arith.truncf %slice3A_98 : vector<32x64xf32> to vector<32x64xbf16>
    %dot_general3A_100 = arith.constant dense<0.000000e+00> : vector<512x64xf32>
    %dot_general3A_101 = tpu.matmul %convert_element_type3A_97, %convert_element_type3A_99, %dot_general3A_100 {dimension_numbers = #tpu.dot_dimension_numbers<[1], [0], [0], [1], [0, 0, 1, 1], [], []>, transpose_lhs_hint = false} : vector<512x32xbf16>, vector<32x64xbf16>, vector<512x64xf32> -> vector<512x64xf32>
    %slice3A_102 = vector.extract_strided_slice %dot_general3A_16 {offsets = [0, 192], sizes = [512, 64], strides = [1, 1]} : vector<512x1024xf32> to vector<512x64xf32>
    %convert_element_type3A_103 = arith.truncf %slice3A_102 : vector<512x64xf32> to vector<512x64xbf16>
    %slice3A_104 = vector.extract_strided_slice %dot_general3A_28 {offsets = [0, 192], sizes = [32, 64], strides = [1, 1]} : vector<32x1024xf32> to vector<32x64xf32>
    %convert_element_type3A_105 = arith.truncf %slice3A_104 : vector<32x64xf32> to vector<32x64xbf16>
    %dot_general3A_106 = arith.constant dense<0.000000e+00> : vector<512x32xf32>
    %dot_general3A_107 = tpu.matmul %convert_element_type3A_103, %convert_element_type3A_105, %dot_general3A_106 {dimension_numbers = #tpu.dot_dimension_numbers<[1], [1], [0], [0], [0, 0, 1, 0], [], []>, transpose_lhs_hint = false} : vector<512x64xbf16>, vector<32x64xbf16>, vector<512x32xf32> -> vector<512x32xf32>
    %mul3A_108 = arith.constant 1.250000e-01 : f32
    %mul3A_109 = vector.broadcast %mul3A_108 : f32 to vector<512x32xf32>
    %mul3A_110 = arith.mulf %dot_general3A_107, %mul3A_109 : vector<512x32xf32>
    %reduce_max3A_111 = arith.constant dense<0xFF800000> : vector<512xf32>
    %reduce_max3A_112 = vector.multi_reduction <maximumf>, %mul3A_110, %reduce_max3A_111 [1] : vector<512x32xf32> to vector<512xf32>
    %broadcast_in_dim3A_113 = vector.shape_cast %reduce_max3A_112 : vector<512xf32> to vector<512x1xf32>
    %sub3A_114 = vector.broadcast %broadcast_in_dim3A_113 : vector<512x1xf32> to vector<512x32xf32>
    %sub3A_115 = arith.subf %mul3A_110, %sub3A_114 : vector<512x32xf32>
    %exp3A_116 = math.exp %sub3A_115 : vector<512x32xf32>
    %reduce_sum3A_117 = arith.constant dense<0.000000e+00> : vector<512xf32>
    %reduce_sum3A_118 = vector.multi_reduction <add>, %exp3A_116, %reduce_sum3A_117 [1] : vector<512x32xf32> to vector<512xf32>
    %broadcast_in_dim3A_119 = vector.shape_cast %reduce_sum3A_118 : vector<512xf32> to vector<512x1xf32>
    %div3A_120 = vector.broadcast %broadcast_in_dim3A_119 : vector<512x1xf32> to vector<512x32xf32>
    %div3A_121 = arith.divf %exp3A_116, %div3A_120 : vector<512x32xf32>
    %convert_element_type3A_122 = arith.truncf %div3A_121 : vector<512x32xf32> to vector<512x32xbf16>
    %slice3A_123 = vector.extract_strided_slice %dot_general3A_34 {offsets = [0, 192], sizes = [32, 64], strides = [1, 1]} : vector<32x1024xf32> to vector<32x64xf32>
    %convert_element_type3A_124 = arith.truncf %slice3A_123 : vector<32x64xf32> to vector<32x64xbf16>
    %dot_general3A_125 = arith.constant dense<0.000000e+00> : vector<512x64xf32>
    %dot_general3A_126 = tpu.matmul %convert_element_type3A_122, %convert_element_type3A_124, %dot_general3A_125 {dimension_numbers = #tpu.dot_dimension_numbers<[1], [0], [0], [1], [0, 0, 1, 1], [], []>, transpose_lhs_hint = false} : vector<512x32xbf16>, vector<32x64xbf16>, vector<512x64xf32> -> vector<512x64xf32>
    %slice3A_127 = vector.extract_strided_slice %dot_general3A_16 {offsets = [0, 256], sizes = [512, 64], strides = [1, 1]} : vector<512x1024xf32> to vector<512x64xf32>
    %convert_element_type3A_128 = arith.truncf %slice3A_127 : vector<512x64xf32> to vector<512x64xbf16>
    %slice3A_129 = vector.extract_strided_slice %dot_general3A_28 {offsets = [0, 256], sizes = [32, 64], strides = [1, 1]} : vector<32x1024xf32> to vector<32x64xf32>
    %convert_element_type3A_130 = arith.truncf %slice3A_129 : vector<32x64xf32> to vector<32x64xbf16>
    %dot_general3A_131 = arith.constant dense<0.000000e+00> : vector<512x32xf32>
    %dot_general3A_132 = tpu.matmul %convert_element_type3A_128, %convert_element_type3A_130, %dot_general3A_131 {dimension_numbers = #tpu.dot_dimension_numbers<[1], [1], [0], [0], [0, 0, 1, 0], [], []>, transpose_lhs_hint = false} : vector<512x64xbf16>, vector<32x64xbf16>, vector<512x32xf32> -> vector<512x32xf32>
    %mul3A_133 = arith.constant 1.250000e-01 : f32
    %mul3A_134 = vector.broadcast %mul3A_133 : f32 to vector<512x32xf32>
    %mul3A_135 = arith.mulf %dot_general3A_132, %mul3A_134 : vector<512x32xf32>
    %reduce_max3A_136 = arith.constant dense<0xFF800000> : vector<512xf32>
    %reduce_max3A_137 = vector.multi_reduction <maximumf>, %mul3A_135, %reduce_max3A_136 [1] : vector<512x32xf32> to vector<512xf32>
    %broadcast_in_dim3A_138 = vector.shape_cast %reduce_max3A_137 : vector<512xf32> to vector<512x1xf32>
    %sub3A_139 = vector.broadcast %broadcast_in_dim3A_138 : vector<512x1xf32> to vector<512x32xf32>
    %sub3A_140 = arith.subf %mul3A_135, %sub3A_139 : vector<512x32xf32>
    %exp3A_141 = math.exp %sub3A_140 : vector<512x32xf32>
    %reduce_sum3A_142 = arith.constant dense<0.000000e+00> : vector<512xf32>
    %reduce_sum3A_143 = vector.multi_reduction <add>, %exp3A_141, %reduce_sum3A_142 [1] : vector<512x32xf32> to vector<512xf32>
    %broadcast_in_dim3A_144 = vector.shape_cast %reduce_sum3A_143 : vector<512xf32> to vector<512x1xf32>
    %div3A_145 = vector.broadcast %broadcast_in_dim3A_144 : vector<512x1xf32> to vector<512x32xf32>
    %div3A_146 = arith.divf %exp3A_141, %div3A_145 : vector<512x32xf32>
    %convert_element_type3A_147 = arith.truncf %div3A_146 : vector<512x32xf32> to vector<512x32xbf16>
    %slice3A_148 = vector.extract_strided_slice %dot_general3A_34 {offsets = [0, 256], sizes = [32, 64], strides = [1, 1]} : vector<32x1024xf32> to vector<32x64xf32>
    %convert_element_type3A_149 = arith.truncf %slice3A_148 : vector<32x64xf32> to vector<32x64xbf16>
    %dot_general3A_150 = arith.constant dense<0.000000e+00> : vector<512x64xf32>
    %dot_general3A_151 = tpu.matmul %convert_element_type3A_147, %convert_element_type3A_149, %dot_general3A_150 {dimension_numbers = #tpu.dot_dimension_numbers<[1], [0], [0], [1], [0, 0, 1, 1], [], []>, transpose_lhs_hint = false} : vector<512x32xbf16>, vector<32x64xbf16>, vector<512x64xf32> -> vector<512x64xf32>
    %slice3A_152 = vector.extract_strided_slice %dot_general3A_16 {offsets = [0, 320], sizes = [512, 64], strides = [1, 1]} : vector<512x1024xf32> to vector<512x64xf32>
    %convert_element_type3A_153 = arith.truncf %slice3A_152 : vector<512x64xf32> to vector<512x64xbf16>
    %slice3A_154 = vector.extract_strided_slice %dot_general3A_28 {offsets = [0, 320], sizes = [32, 64], strides = [1, 1]} : vector<32x1024xf32> to vector<32x64xf32>
    %convert_element_type3A_155 = arith.truncf %slice3A_154 : vector<32x64xf32> to vector<32x64xbf16>
    %dot_general3A_156 = arith.constant dense<0.000000e+00> : vector<512x32xf32>
    %dot_general3A_157 = tpu.matmul %convert_element_type3A_153, %convert_element_type3A_155, %dot_general3A_156 {dimension_numbers = #tpu.dot_dimension_numbers<[1], [1], [0], [0], [0, 0, 1, 0], [], []>, transpose_lhs_hint = false} : vector<512x64xbf16>, vector<32x64xbf16>, vector<512x32xf32> -> vector<512x32xf32>
    %mul3A_158 = arith.constant 1.250000e-01 : f32
    %mul3A_159 = vector.broadcast %mul3A_158 : f32 to vector<512x32xf32>
    %mul3A_160 = arith.mulf %dot_general3A_157, %mul3A_159 : vector<512x32xf32>
    %reduce_max3A_161 = arith.constant dense<0xFF800000> : vector<512xf32>
    %reduce_max3A_162 = vector.multi_reduction <maximumf>, %mul3A_160, %reduce_max3A_161 [1] : vector<512x32xf32> to vector<512xf32>
    %broadcast_in_dim3A_163 = vector.shape_cast %reduce_max3A_162 : vector<512xf32> to vector<512x1xf32>
    %sub3A_164 = vector.broadcast %broadcast_in_dim3A_163 : vector<512x1xf32> to vector<512x32xf32>
    %sub3A_165 = arith.subf %mul3A_160, %sub3A_164 : vector<512x32xf32>
    %exp3A_166 = math.exp %sub3A_165 : vector<512x32xf32>
    %reduce_sum3A_167 = arith.constant dense<0.000000e+00> : vector<512xf32>
    %reduce_sum3A_168 = vector.multi_reduction <add>, %exp3A_166, %reduce_sum3A_167 [1] : vector<512x32xf32> to vector<512xf32>
    %broadcast_in_dim3A_169 = vector.shape_cast %reduce_sum3A_168 : vector<512xf32> to vector<512x1xf32>
    %div3A_170 = vector.broadcast %broadcast_in_dim3A_169 : vector<512x1xf32> to vector<512x32xf32>
    %div3A_171 = arith.divf %exp3A_166, %div3A_170 : vector<512x32xf32>
    %convert_element_type3A_172 = arith.truncf %div3A_171 : vector<512x32xf32> to vector<512x32xbf16>
    %slice3A_173 = vector.extract_strided_slice %dot_general3A_34 {offsets = [0, 320], sizes = [32, 64], strides = [1, 1]} : vector<32x1024xf32> to vector<32x64xf32>
    %convert_element_type3A_174 = arith.truncf %slice3A_173 : vector<32x64xf32> to vector<32x64xbf16>
    %dot_general3A_175 = arith.constant dense<0.000000e+00> : vector<512x64xf32>
    %dot_general3A_176 = tpu.matmul %convert_element_type3A_172, %convert_element_type3A_174, %dot_general3A_175 {dimension_numbers = #tpu.dot_dimension_numbers<[1], [0], [0], [1], [0, 0, 1, 1], [], []>, transpose_lhs_hint = false} : vector<512x32xbf16>, vector<32x64xbf16>, vector<512x64xf32> -> vector<512x64xf32>
    %slice3A_177 = vector.extract_strided_slice %dot_general3A_16 {offsets = [0, 384], sizes = [512, 64], strides = [1, 1]} : vector<512x1024xf32> to vector<512x64xf32>
    %convert_element_type3A_178 = arith.truncf %slice3A_177 : vector<512x64xf32> to vector<512x64xbf16>
    %slice3A_179 = vector.extract_strided_slice %dot_general3A_28 {offsets = [0, 384], sizes = [32, 64], strides = [1, 1]} : vector<32x1024xf32> to vector<32x64xf32>
    %convert_element_type3A_180 = arith.truncf %slice3A_179 : vector<32x64xf32> to vector<32x64xbf16>
    %dot_general3A_181 = arith.constant dense<0.000000e+00> : vector<512x32xf32>
    %dot_general3A_182 = tpu.matmul %convert_element_type3A_178, %convert_element_type3A_180, %dot_general3A_181 {dimension_numbers = #tpu.dot_dimension_numbers<[1], [1], [0], [0], [0, 0, 1, 0], [], []>, transpose_lhs_hint = false} : vector<512x64xbf16>, vector<32x64xbf16>, vector<512x32xf32> -> vector<512x32xf32>
    %mul3A_183 = arith.constant 1.250000e-01 : f32
    %mul3A_184 = vector.broadcast %mul3A_183 : f32 to vector<512x32xf32>
    %mul3A_185 = arith.mulf %dot_general3A_182, %mul3A_184 : vector<512x32xf32>
    %reduce_max3A_186 = arith.constant dense<0xFF800000> : vector<512xf32>
    %reduce_max3A_187 = vector.multi_reduction <maximumf>, %mul3A_185, %reduce_max3A_186 [1] : vector<512x32xf32> to vector<512xf32>
    %broadcast_in_dim3A_188 = vector.shape_cast %reduce_max3A_187 : vector<512xf32> to vector<512x1xf32>
    %sub3A_189 = vector.broadcast %broadcast_in_dim3A_188 : vector<512x1xf32> to vector<512x32xf32>
    %sub3A_190 = arith.subf %mul3A_185, %sub3A_189 : vector<512x32xf32>
    %exp3A_191 = math.exp %sub3A_190 : vector<512x32xf32>
    %reduce_sum3A_192 = arith.constant dense<0.000000e+00> : vector<512xf32>
    %reduce_sum3A_193 = vector.multi_reduction <add>, %exp3A_191, %reduce_sum3A_192 [1] : vector<512x32xf32> to vector<512xf32>
    %broadcast_in_dim3A_194 = vector.shape_cast %reduce_sum3A_193 : vector<512xf32> to vector<512x1xf32>
    %div3A_195 = vector.broadcast %broadcast_in_dim3A_194 : vector<512x1xf32> to vector<512x32xf32>
    %div3A_196 = arith.divf %exp3A_191, %div3A_195 : vector<512x32xf32>
    %convert_element_type3A_197 = arith.truncf %div3A_196 : vector<512x32xf32> to vector<512x32xbf16>
    %slice3A_198 = vector.extract_strided_slice %dot_general3A_34 {offsets = [0, 384], sizes = [32, 64], strides = [1, 1]} : vector<32x1024xf32> to vector<32x64xf32>
    %convert_element_type3A_199 = arith.truncf %slice3A_198 : vector<32x64xf32> to vector<32x64xbf16>
    %dot_general3A_200 = arith.constant dense<0.000000e+00> : vector<512x64xf32>
    %dot_general3A_201 = tpu.matmul %convert_element_type3A_197, %convert_element_type3A_199, %dot_general3A_200 {dimension_numbers = #tpu.dot_dimension_numbers<[1], [0], [0], [1], [0, 0, 1, 1], [], []>, transpose_lhs_hint = false} : vector<512x32xbf16>, vector<32x64xbf16>, vector<512x64xf32> -> vector<512x64xf32>
    %slice3A_202 = vector.extract_strided_slice %dot_general3A_16 {offsets = [0, 448], sizes = [512, 64], strides = [1, 1]} : vector<512x1024xf32> to vector<512x64xf32>
    %convert_element_type3A_203 = arith.truncf %slice3A_202 : vector<512x64xf32> to vector<512x64xbf16>
    %slice3A_204 = vector.extract_strided_slice %dot_general3A_28 {offsets = [0, 448], sizes = [32, 64], strides = [1, 1]} : vector<32x1024xf32> to vector<32x64xf32>
    %convert_element_type3A_205 = arith.truncf %slice3A_204 : vector<32x64xf32> to vector<32x64xbf16>
    %dot_general3A_206 = arith.constant dense<0.000000e+00> : vector<512x32xf32>
    %dot_general3A_207 = tpu.matmul %convert_element_type3A_203, %convert_element_type3A_205, %dot_general3A_206 {dimension_numbers = #tpu.dot_dimension_numbers<[1], [1], [0], [0], [0, 0, 1, 0], [], []>, transpose_lhs_hint = false} : vector<512x64xbf16>, vector<32x64xbf16>, vector<512x32xf32> -> vector<512x32xf32>
    %mul3A_208 = arith.constant 1.250000e-01 : f32
    %mul3A_209 = vector.broadcast %mul3A_208 : f32 to vector<512x32xf32>
    %mul3A_210 = arith.mulf %dot_general3A_207, %mul3A_209 : vector<512x32xf32>
    %reduce_max3A_211 = arith.constant dense<0xFF800000> : vector<512xf32>
    %reduce_max3A_212 = vector.multi_reduction <maximumf>, %mul3A_210, %reduce_max3A_211 [1] : vector<512x32xf32> to vector<512xf32>
    %broadcast_in_dim3A_213 = vector.shape_cast %reduce_max3A_212 : vector<512xf32> to vector<512x1xf32>
    %sub3A_214 = vector.broadcast %broadcast_in_dim3A_213 : vector<512x1xf32> to vector<512x32xf32>
    %sub3A_215 = arith.subf %mul3A_210, %sub3A_214 : vector<512x32xf32>
    %exp3A_216 = math.exp %sub3A_215 : vector<512x32xf32>
    %reduce_sum3A_217 = arith.constant dense<0.000000e+00> : vector<512xf32>
    %reduce_sum3A_218 = vector.multi_reduction <add>, %exp3A_216, %reduce_sum3A_217 [1] : vector<512x32xf32> to vector<512xf32>
    %broadcast_in_dim3A_219 = vector.shape_cast %reduce_sum3A_218 : vector<512xf32> to vector<512x1xf32>
    %div3A_220 = vector.broadcast %broadcast_in_dim3A_219 : vector<512x1xf32> to vector<512x32xf32>
    %div3A_221 = arith.divf %exp3A_216, %div3A_220 : vector<512x32xf32>
    %convert_element_type3A_222 = arith.truncf %div3A_221 : vector<512x32xf32> to vector<512x32xbf16>
    %slice3A_223 = vector.extract_strided_slice %dot_general3A_34 {offsets = [0, 448], sizes = [32, 64], strides = [1, 1]} : vector<32x1024xf32> to vector<32x64xf32>
    %convert_element_type3A_224 = arith.truncf %slice3A_223 : vector<32x64xf32> to vector<32x64xbf16>
    %dot_general3A_225 = arith.constant dense<0.000000e+00> : vector<512x64xf32>
    %dot_general3A_226 = tpu.matmul %convert_element_type3A_222, %convert_element_type3A_224, %dot_general3A_225 {dimension_numbers = #tpu.dot_dimension_numbers<[1], [0], [0], [1], [0, 0, 1, 1], [], []>, transpose_lhs_hint = false} : vector<512x32xbf16>, vector<32x64xbf16>, vector<512x64xf32> -> vector<512x64xf32>
    %slice3A_227 = vector.extract_strided_slice %dot_general3A_16 {offsets = [0, 512], sizes = [512, 64], strides = [1, 1]} : vector<512x1024xf32> to vector<512x64xf32>
    %convert_element_type3A_228 = arith.truncf %slice3A_227 : vector<512x64xf32> to vector<512x64xbf16>
    %slice3A_229 = vector.extract_strided_slice %dot_general3A_28 {offsets = [0, 512], sizes = [32, 64], strides = [1, 1]} : vector<32x1024xf32> to vector<32x64xf32>
    %convert_element_type3A_230 = arith.truncf %slice3A_229 : vector<32x64xf32> to vector<32x64xbf16>
    %dot_general3A_231 = arith.constant dense<0.000000e+00> : vector<512x32xf32>
    %dot_general3A_232 = tpu.matmul %convert_element_type3A_228, %convert_element_type3A_230, %dot_general3A_231 {dimension_numbers = #tpu.dot_dimension_numbers<[1], [1], [0], [0], [0, 0, 1, 0], [], []>, transpose_lhs_hint = false} : vector<512x64xbf16>, vector<32x64xbf16>, vector<512x32xf32> -> vector<512x32xf32>
    %mul3A_233 = arith.constant 1.250000e-01 : f32
    %mul3A_234 = vector.broadcast %mul3A_233 : f32 to vector<512x32xf32>
    %mul3A_235 = arith.mulf %dot_general3A_232, %mul3A_234 : vector<512x32xf32>
    %reduce_max3A_236 = arith.constant dense<0xFF800000> : vector<512xf32>
    %reduce_max3A_237 = vector.multi_reduction <maximumf>, %mul3A_235, %reduce_max3A_236 [1] : vector<512x32xf32> to vector<512xf32>
    %broadcast_in_dim3A_238 = vector.shape_cast %reduce_max3A_237 : vector<512xf32> to vector<512x1xf32>
    %sub3A_239 = vector.broadcast %broadcast_in_dim3A_238 : vector<512x1xf32> to vector<512x32xf32>
    %sub3A_240 = arith.subf %mul3A_235, %sub3A_239 : vector<512x32xf32>
    %exp3A_241 = math.exp %sub3A_240 : vector<512x32xf32>
    %reduce_sum3A_242 = arith.constant dense<0.000000e+00> : vector<512xf32>
    %reduce_sum3A_243 = vector.multi_reduction <add>, %exp3A_241, %reduce_sum3A_242 [1] : vector<512x32xf32> to vector<512xf32>
    %broadcast_in_dim3A_244 = vector.shape_cast %reduce_sum3A_243 : vector<512xf32> to vector<512x1xf32>
    %div3A_245 = vector.broadcast %broadcast_in_dim3A_244 : vector<512x1xf32> to vector<512x32xf32>
    %div3A_246 = arith.divf %exp3A_241, %div3A_245 : vector<512x32xf32>
    %convert_element_type3A_247 = arith.truncf %div3A_246 : vector<512x32xf32> to vector<512x32xbf16>
    %slice3A_248 = vector.extract_strided_slice %dot_general3A_34 {offsets = [0, 512], sizes = [32, 64], strides = [1, 1]} : vector<32x1024xf32> to vector<32x64xf32>
    %convert_element_type3A_249 = arith.truncf %slice3A_248 : vector<32x64xf32> to vector<32x64xbf16>
    %dot_general3A_250 = arith.constant dense<0.000000e+00> : vector<512x64xf32>
    %dot_general3A_251 = tpu.matmul %convert_element_type3A_247, %convert_element_type3A_249, %dot_general3A_250 {dimension_numbers = #tpu.dot_dimension_numbers<[1], [0], [0], [1], [0, 0, 1, 1], [], []>, transpose_lhs_hint = false} : vector<512x32xbf16>, vector<32x64xbf16>, vector<512x64xf32> -> vector<512x64xf32>
    %slice3A_252 = vector.extract_strided_slice %dot_general3A_16 {offsets = [0, 576], sizes = [512, 64], strides = [1, 1]} : vector<512x1024xf32> to vector<512x64xf32>
    %convert_element_type3A_253 = arith.truncf %slice3A_252 : vector<512x64xf32> to vector<512x64xbf16>
    %slice3A_254 = vector.extract_strided_slice %dot_general3A_28 {offsets = [0, 576], sizes = [32, 64], strides = [1, 1]} : vector<32x1024xf32> to vector<32x64xf32>
    %convert_element_type3A_255 = arith.truncf %slice3A_254 : vector<32x64xf32> to vector<32x64xbf16>
    %dot_general3A_256 = arith.constant dense<0.000000e+00> : vector<512x32xf32>
    %dot_general3A_257 = tpu.matmul %convert_element_type3A_253, %convert_element_type3A_255, %dot_general3A_256 {dimension_numbers = #tpu.dot_dimension_numbers<[1], [1], [0], [0], [0, 0, 1, 0], [], []>, transpose_lhs_hint = false} : vector<512x64xbf16>, vector<32x64xbf16>, vector<512x32xf32> -> vector<512x32xf32>
    %mul3A_258 = arith.constant 1.250000e-01 : f32
    %mul3A_259 = vector.broadcast %mul3A_258 : f32 to vector<512x32xf32>
    %mul3A_260 = arith.mulf %dot_general3A_257, %mul3A_259 : vector<512x32xf32>
    %reduce_max3A_261 = arith.constant dense<0xFF800000> : vector<512xf32>
    %reduce_max3A_262 = vector.multi_reduction <maximumf>, %mul3A_260, %reduce_max3A_261 [1] : vector<512x32xf32> to vector<512xf32>
    %broadcast_in_dim3A_263 = vector.shape_cast %reduce_max3A_262 : vector<512xf32> to vector<512x1xf32>
    %sub3A_264 = vector.broadcast %broadcast_in_dim3A_263 : vector<512x1xf32> to vector<512x32xf32>
    %sub3A_265 = arith.subf %mul3A_260, %sub3A_264 : vector<512x32xf32>
    %exp3A_266 = math.exp %sub3A_265 : vector<512x32xf32>
    %reduce_sum3A_267 = arith.constant dense<0.000000e+00> : vector<512xf32>
    %reduce_sum3A_268 = vector.multi_reduction <add>, %exp3A_266, %reduce_sum3A_267 [1] : vector<512x32xf32> to vector<512xf32>
    %broadcast_in_dim3A_269 = vector.shape_cast %reduce_sum3A_268 : vector<512xf32> to vector<512x1xf32>
    %div3A_270 = vector.broadcast %broadcast_in_dim3A_269 : vector<512x1xf32> to vector<512x32xf32>
    %div3A_271 = arith.divf %exp3A_266, %div3A_270 : vector<512x32xf32>
    %convert_element_type3A_272 = arith.truncf %div3A_271 : vector<512x32xf32> to vector<512x32xbf16>
    %slice3A_273 = vector.extract_strided_slice %dot_general3A_34 {offsets = [0, 576], sizes = [32, 64], strides = [1, 1]} : vector<32x1024xf32> to vector<32x64xf32>
    %convert_element_type3A_274 = arith.truncf %slice3A_273 : vector<32x64xf32> to vector<32x64xbf16>
    %dot_general3A_275 = arith.constant dense<0.000000e+00> : vector<512x64xf32>
    %dot_general3A_276 = tpu.matmul %convert_element_type3A_272, %convert_element_type3A_274, %dot_general3A_275 {dimension_numbers = #tpu.dot_dimension_numbers<[1], [0], [0], [1], [0, 0, 1, 1], [], []>, transpose_lhs_hint = false} : vector<512x32xbf16>, vector<32x64xbf16>, vector<512x64xf32> -> vector<512x64xf32>
    %slice3A_277 = vector.extract_strided_slice %dot_general3A_16 {offsets = [0, 640], sizes = [512, 64], strides = [1, 1]} : vector<512x1024xf32> to vector<512x64xf32>
    %convert_element_type3A_278 = arith.truncf %slice3A_277 : vector<512x64xf32> to vector<512x64xbf16>
    %slice3A_279 = vector.extract_strided_slice %dot_general3A_28 {offsets = [0, 640], sizes = [32, 64], strides = [1, 1]} : vector<32x1024xf32> to vector<32x64xf32>
    %convert_element_type3A_280 = arith.truncf %slice3A_279 : vector<32x64xf32> to vector<32x64xbf16>
    %dot_general3A_281 = arith.constant dense<0.000000e+00> : vector<512x32xf32>
    %dot_general3A_282 = tpu.matmul %convert_element_type3A_278, %convert_element_type3A_280, %dot_general3A_281 {dimension_numbers = #tpu.dot_dimension_numbers<[1], [1], [0], [0], [0, 0, 1, 0], [], []>, transpose_lhs_hint = false} : vector<512x64xbf16>, vector<32x64xbf16>, vector<512x32xf32> -> vector<512x32xf32>
    %mul3A_283 = arith.constant 1.250000e-01 : f32
    %mul3A_284 = vector.broadcast %mul3A_283 : f32 to vector<512x32xf32>
    %mul3A_285 = arith.mulf %dot_general3A_282, %mul3A_284 : vector<512x32xf32>
    %reduce_max3A_286 = arith.constant dense<0xFF800000> : vector<512xf32>
    %reduce_max3A_287 = vector.multi_reduction <maximumf>, %mul3A_285, %reduce_max3A_286 [1] : vector<512x32xf32> to vector<512xf32>
    %broadcast_in_dim3A_288 = vector.shape_cast %reduce_max3A_287 : vector<512xf32> to vector<512x1xf32>
    %sub3A_289 = vector.broadcast %broadcast_in_dim3A_288 : vector<512x1xf32> to vector<512x32xf32>
    %sub3A_290 = arith.subf %mul3A_285, %sub3A_289 : vector<512x32xf32>
    %exp3A_291 = math.exp %sub3A_290 : vector<512x32xf32>
    %reduce_sum3A_292 = arith.constant dense<0.000000e+00> : vector<512xf32>
    %reduce_sum3A_293 = vector.multi_reduction <add>, %exp3A_291, %reduce_sum3A_292 [1] : vector<512x32xf32> to vector<512xf32>
    %broadcast_in_dim3A_294 = vector.shape_cast %reduce_sum3A_293 : vector<512xf32> to vector<512x1xf32>
    %div3A_295 = vector.broadcast %broadcast_in_dim3A_294 : vector<512x1xf32> to vector<512x32xf32>
    %div3A_296 = arith.divf %exp3A_291, %div3A_295 : vector<512x32xf32>
    %convert_element_type3A_297 = arith.truncf %div3A_296 : vector<512x32xf32> to vector<512x32xbf16>
    %slice3A_298 = vector.extract_strided_slice %dot_general3A_34 {offsets = [0, 640], sizes = [32, 64], strides = [1, 1]} : vector<32x1024xf32> to vector<32x64xf32>
    %convert_element_type3A_299 = arith.truncf %slice3A_298 : vector<32x64xf32> to vector<32x64xbf16>
    %dot_general3A_300 = arith.constant dense<0.000000e+00> : vector<512x64xf32>
    %dot_general3A_301 = tpu.matmul %convert_element_type3A_297, %convert_element_type3A_299, %dot_general3A_300 {dimension_numbers = #tpu.dot_dimension_numbers<[1], [0], [0], [1], [0, 0, 1, 1], [], []>, transpose_lhs_hint = false} : vector<512x32xbf16>, vector<32x64xbf16>, vector<512x64xf32> -> vector<512x64xf32>
    %slice3A_302 = vector.extract_strided_slice %dot_general3A_16 {offsets = [0, 704], sizes = [512, 64], strides = [1, 1]} : vector<512x1024xf32> to vector<512x64xf32>
    %convert_element_type3A_303 = arith.truncf %slice3A_302 : vector<512x64xf32> to vector<512x64xbf16>
    %slice3A_304 = vector.extract_strided_slice %dot_general3A_28 {offsets = [0, 704], sizes = [32, 64], strides = [1, 1]} : vector<32x1024xf32> to vector<32x64xf32>
    %convert_element_type3A_305 = arith.truncf %slice3A_304 : vector<32x64xf32> to vector<32x64xbf16>
    %dot_general3A_306 = arith.constant dense<0.000000e+00> : vector<512x32xf32>
    %dot_general3A_307 = tpu.matmul %convert_element_type3A_303, %convert_element_type3A_305, %dot_general3A_306 {dimension_numbers = #tpu.dot_dimension_numbers<[1], [1], [0], [0], [0, 0, 1, 0], [], []>, transpose_lhs_hint = false} : vector<512x64xbf16>, vector<32x64xbf16>, vector<512x32xf32> -> vector<512x32xf32>
    %mul3A_308 = arith.constant 1.250000e-01 : f32
    %mul3A_309 = vector.broadcast %mul3A_308 : f32 to vector<512x32xf32>
    %mul3A_310 = arith.mulf %dot_general3A_307, %mul3A_309 : vector<512x32xf32>
    %reduce_max3A_311 = arith.constant dense<0xFF800000> : vector<512xf32>
    %reduce_max3A_312 = vector.multi_reduction <maximumf>, %mul3A_310, %reduce_max3A_311 [1] : vector<512x32xf32> to vector<512xf32>
    %broadcast_in_dim3A_313 = vector.shape_cast %reduce_max3A_312 : vector<512xf32> to vector<512x1xf32>
    %sub3A_314 = vector.broadcast %broadcast_in_dim3A_313 : vector<512x1xf32> to vector<512x32xf32>
    %sub3A_315 = arith.subf %mul3A_310, %sub3A_314 : vector<512x32xf32>
    %exp3A_316 = math.exp %sub3A_315 : vector<512x32xf32>
    %reduce_sum3A_317 = arith.constant dense<0.000000e+00> : vector<512xf32>
    %reduce_sum3A_318 = vector.multi_reduction <add>, %exp3A_316, %reduce_sum3A_317 [1] : vector<512x32xf32> to vector<512xf32>
    %broadcast_in_dim3A_319 = vector.shape_cast %reduce_sum3A_318 : vector<512xf32> to vector<512x1xf32>
    %div3A_320 = vector.broadcast %broadcast_in_dim3A_319 : vector<512x1xf32> to vector<512x32xf32>
    %div3A_321 = arith.divf %exp3A_316, %div3A_320 : vector<512x32xf32>
    %convert_element_type3A_322 = arith.truncf %div3A_321 : vector<512x32xf32> to vector<512x32xbf16>
    %slice3A_323 = vector.extract_strided_slice %dot_general3A_34 {offsets = [0, 704], sizes = [32, 64], strides = [1, 1]} : vector<32x1024xf32> to vector<32x64xf32>
    %convert_element_type3A_324 = arith.truncf %slice3A_323 : vector<32x64xf32> to vector<32x64xbf16>
    %dot_general3A_325 = arith.constant dense<0.000000e+00> : vector<512x64xf32>
    %dot_general3A_326 = tpu.matmul %convert_element_type3A_322, %convert_element_type3A_324, %dot_general3A_325 {dimension_numbers = #tpu.dot_dimension_numbers<[1], [0], [0], [1], [0, 0, 1, 1], [], []>, transpose_lhs_hint = false} : vector<512x32xbf16>, vector<32x64xbf16>, vector<512x64xf32> -> vector<512x64xf32>
    %slice3A_327 = vector.extract_strided_slice %dot_general3A_16 {offsets = [0, 768], sizes = [512, 64], strides = [1, 1]} : vector<512x1024xf32> to vector<512x64xf32>
    %convert_element_type3A_328 = arith.truncf %slice3A_327 : vector<512x64xf32> to vector<512x64xbf16>
    %slice3A_329 = vector.extract_strided_slice %dot_general3A_28 {offsets = [0, 768], sizes = [32, 64], strides = [1, 1]} : vector<32x1024xf32> to vector<32x64xf32>
    %convert_element_type3A_330 = arith.truncf %slice3A_329 : vector<32x64xf32> to vector<32x64xbf16>
    %dot_general3A_331 = arith.constant dense<0.000000e+00> : vector<512x32xf32>
    %dot_general3A_332 = tpu.matmul %convert_element_type3A_328, %convert_element_type3A_330, %dot_general3A_331 {dimension_numbers = #tpu.dot_dimension_numbers<[1], [1], [0], [0], [0, 0, 1, 0], [], []>, transpose_lhs_hint = false} : vector<512x64xbf16>, vector<32x64xbf16>, vector<512x32xf32> -> vector<512x32xf32>
    %mul3A_333 = arith.constant 1.250000e-01 : f32
    %mul3A_334 = vector.broadcast %mul3A_333 : f32 to vector<512x32xf32>
    %mul3A_335 = arith.mulf %dot_general3A_332, %mul3A_334 : vector<512x32xf32>
    %reduce_max3A_336 = arith.constant dense<0xFF800000> : vector<512xf32>
    %reduce_max3A_337 = vector.multi_reduction <maximumf>, %mul3A_335, %reduce_max3A_336 [1] : vector<512x32xf32> to vector<512xf32>
    %broadcast_in_dim3A_338 = vector.shape_cast %reduce_max3A_337 : vector<512xf32> to vector<512x1xf32>
    %sub3A_339 = vector.broadcast %broadcast_in_dim3A_338 : vector<512x1xf32> to vector<512x32xf32>
    %sub3A_340 = arith.subf %mul3A_335, %sub3A_339 : vector<512x32xf32>
    %exp3A_341 = math.exp %sub3A_340 : vector<512x32xf32>
    %reduce_sum3A_342 = arith.constant dense<0.000000e+00> : vector<512xf32>
    %reduce_sum3A_343 = vector.multi_reduction <add>, %exp3A_341, %reduce_sum3A_342 [1] : vector<512x32xf32> to vector<512xf32>
    %broadcast_in_dim3A_344 = vector.shape_cast %reduce_sum3A_343 : vector<512xf32> to vector<512x1xf32>
    %div3A_345 = vector.broadcast %broadcast_in_dim3A_344 : vector<512x1xf32> to vector<512x32xf32>
    %div3A_346 = arith.divf %exp3A_341, %div3A_345 : vector<512x32xf32>
    %convert_element_type3A_347 = arith.truncf %div3A_346 : vector<512x32xf32> to vector<512x32xbf16>
    %slice3A_348 = vector.extract_strided_slice %dot_general3A_34 {offsets = [0, 768], sizes = [32, 64], strides = [1, 1]} : vector<32x1024xf32> to vector<32x64xf32>
    %convert_element_type3A_349 = arith.truncf %slice3A_348 : vector<32x64xf32> to vector<32x64xbf16>
    %dot_general3A_350 = arith.constant dense<0.000000e+00> : vector<512x64xf32>
    %dot_general3A_351 = tpu.matmul %convert_element_type3A_347, %convert_element_type3A_349, %dot_general3A_350 {dimension_numbers = #tpu.dot_dimension_numbers<[1], [0], [0], [1], [0, 0, 1, 1], [], []>, transpose_lhs_hint = false} : vector<512x32xbf16>, vector<32x64xbf16>, vector<512x64xf32> -> vector<512x64xf32>
    %slice3A_352 = vector.extract_strided_slice %dot_general3A_16 {offsets = [0, 832], sizes = [512, 64], strides = [1, 1]} : vector<512x1024xf32> to vector<512x64xf32>
    %convert_element_type3A_353 = arith.truncf %slice3A_352 : vector<512x64xf32> to vector<512x64xbf16>
    %slice3A_354 = vector.extract_strided_slice %dot_general3A_28 {offsets = [0, 832], sizes = [32, 64], strides = [1, 1]} : vector<32x1024xf32> to vector<32x64xf32>
    %convert_element_type3A_355 = arith.truncf %slice3A_354 : vector<32x64xf32> to vector<32x64xbf16>
    %dot_general3A_356 = arith.constant dense<0.000000e+00> : vector<512x32xf32>
    %dot_general3A_357 = tpu.matmul %convert_element_type3A_353, %convert_element_type3A_355, %dot_general3A_356 {dimension_numbers = #tpu.dot_dimension_numbers<[1], [1], [0], [0], [0, 0, 1, 0], [], []>, transpose_lhs_hint = false} : vector<512x64xbf16>, vector<32x64xbf16>, vector<512x32xf32> -> vector<512x32xf32>
    %mul3A_358 = arith.constant 1.250000e-01 : f32
    %mul3A_359 = vector.broadcast %mul3A_358 : f32 to vector<512x32xf32>
    %mul3A_360 = arith.mulf %dot_general3A_357, %mul3A_359 : vector<512x32xf32>
    %reduce_max3A_361 = arith.constant dense<0xFF800000> : vector<512xf32>
    %reduce_max3A_362 = vector.multi_reduction <maximumf>, %mul3A_360, %reduce_max3A_361 [1] : vector<512x32xf32> to vector<512xf32>
    %broadcast_in_dim3A_363 = vector.shape_cast %reduce_max3A_362 : vector<512xf32> to vector<512x1xf32>
    %sub3A_364 = vector.broadcast %broadcast_in_dim3A_363 : vector<512x1xf32> to vector<512x32xf32>
    %sub3A_365 = arith.subf %mul3A_360, %sub3A_364 : vector<512x32xf32>
    %exp3A_366 = math.exp %sub3A_365 : vector<512x32xf32>
    %reduce_sum3A_367 = arith.constant dense<0.000000e+00> : vector<512xf32>
    %reduce_sum3A_368 = vector.multi_reduction <add>, %exp3A_366, %reduce_sum3A_367 [1] : vector<512x32xf32> to vector<512xf32>
    %broadcast_in_dim3A_369 = vector.shape_cast %reduce_sum3A_368 : vector<512xf32> to vector<512x1xf32>
    %div3A_370 = vector.broadcast %broadcast_in_dim3A_369 : vector<512x1xf32> to vector<512x32xf32>
    %div3A_371 = arith.divf %exp3A_366, %div3A_370 : vector<512x32xf32>
    %convert_element_type3A_372 = arith.truncf %div3A_371 : vector<512x32xf32> to vector<512x32xbf16>
    %slice3A_373 = vector.extract_strided_slice %dot_general3A_34 {offsets = [0, 832], sizes = [32, 64], strides = [1, 1]} : vector<32x1024xf32> to vector<32x64xf32>
    %convert_element_type3A_374 = arith.truncf %slice3A_373 : vector<32x64xf32> to vector<32x64xbf16>
    %dot_general3A_375 = arith.constant dense<0.000000e+00> : vector<512x64xf32>
    %dot_general3A_376 = tpu.matmul %convert_element_type3A_372, %convert_element_type3A_374, %dot_general3A_375 {dimension_numbers = #tpu.dot_dimension_numbers<[1], [0], [0], [1], [0, 0, 1, 1], [], []>, transpose_lhs_hint = false} : vector<512x32xbf16>, vector<32x64xbf16>, vector<512x64xf32> -> vector<512x64xf32>
    %slice3A_377 = vector.extract_strided_slice %dot_general3A_16 {offsets = [0, 896], sizes = [512, 64], strides = [1, 1]} : vector<512x1024xf32> to vector<512x64xf32>
    %convert_element_type3A_378 = arith.truncf %slice3A_377 : vector<512x64xf32> to vector<512x64xbf16>
    %slice3A_379 = vector.extract_strided_slice %dot_general3A_28 {offsets = [0, 896], sizes = [32, 64], strides = [1, 1]} : vector<32x1024xf32> to vector<32x64xf32>
    %convert_element_type3A_380 = arith.truncf %slice3A_379 : vector<32x64xf32> to vector<32x64xbf16>
    %dot_general3A_381 = arith.constant dense<0.000000e+00> : vector<512x32xf32>
    %dot_general3A_382 = tpu.matmul %convert_element_type3A_378, %convert_element_type3A_380, %dot_general3A_381 {dimension_numbers = #tpu.dot_dimension_numbers<[1], [1], [0], [0], [0, 0, 1, 0], [], []>, transpose_lhs_hint = false} : vector<512x64xbf16>, vector<32x64xbf16>, vector<512x32xf32> -> vector<512x32xf32>
    %mul3A_383 = arith.constant 1.250000e-01 : f32
    %mul3A_384 = vector.broadcast %mul3A_383 : f32 to vector<512x32xf32>
    %mul3A_385 = arith.mulf %dot_general3A_382, %mul3A_384 : vector<512x32xf32>
    %reduce_max3A_386 = arith.constant dense<0xFF800000> : vector<512xf32>
    %reduce_max3A_387 = vector.multi_reduction <maximumf>, %mul3A_385, %reduce_max3A_386 [1] : vector<512x32xf32> to vector<512xf32>
    %broadcast_in_dim3A_388 = vector.shape_cast %reduce_max3A_387 : vector<512xf32> to vector<512x1xf32>
    %sub3A_389 = vector.broadcast %broadcast_in_dim3A_388 : vector<512x1xf32> to vector<512x32xf32>
    %sub3A_390 = arith.subf %mul3A_385, %sub3A_389 : vector<512x32xf32>
    %exp3A_391 = math.exp %sub3A_390 : vector<512x32xf32>
    %reduce_sum3A_392 = arith.constant dense<0.000000e+00> : vector<512xf32>
    %reduce_sum3A_393 = vector.multi_reduction <add>, %exp3A_391, %reduce_sum3A_392 [1] : vector<512x32xf32> to vector<512xf32>
    %broadcast_in_dim3A_394 = vector.shape_cast %reduce_sum3A_393 : vector<512xf32> to vector<512x1xf32>
    %div3A_395 = vector.broadcast %broadcast_in_dim3A_394 : vector<512x1xf32> to vector<512x32xf32>
    %div3A_396 = arith.divf %exp3A_391, %div3A_395 : vector<512x32xf32>
    %convert_element_type3A_397 = arith.truncf %div3A_396 : vector<512x32xf32> to vector<512x32xbf16>
    %slice3A_398 = vector.extract_strided_slice %dot_general3A_34 {offsets = [0, 896], sizes = [32, 64], strides = [1, 1]} : vector<32x1024xf32> to vector<32x64xf32>
    %convert_element_type3A_399 = arith.truncf %slice3A_398 : vector<32x64xf32> to vector<32x64xbf16>
    %dot_general3A_400 = arith.constant dense<0.000000e+00> : vector<512x64xf32>
    %dot_general3A_401 = tpu.matmul %convert_element_type3A_397, %convert_element_type3A_399, %dot_general3A_400 {dimension_numbers = #tpu.dot_dimension_numbers<[1], [0], [0], [1], [0, 0, 1, 1], [], []>, transpose_lhs_hint = false} : vector<512x32xbf16>, vector<32x64xbf16>, vector<512x64xf32> -> vector<512x64xf32>
    %slice3A_402 = vector.extract_strided_slice %dot_general3A_16 {offsets = [0, 960], sizes = [512, 64], strides = [1, 1]} : vector<512x1024xf32> to vector<512x64xf32>
    %convert_element_type3A_403 = arith.truncf %slice3A_402 : vector<512x64xf32> to vector<512x64xbf16>
    %slice3A_404 = vector.extract_strided_slice %dot_general3A_28 {offsets = [0, 960], sizes = [32, 64], strides = [1, 1]} : vector<32x1024xf32> to vector<32x64xf32>
    %convert_element_type3A_405 = arith.truncf %slice3A_404 : vector<32x64xf32> to vector<32x64xbf16>
    %dot_general3A_406 = arith.constant dense<0.000000e+00> : vector<512x32xf32>
    %dot_general3A_407 = tpu.matmul %convert_element_type3A_403, %convert_element_type3A_405, %dot_general3A_406 {dimension_numbers = #tpu.dot_dimension_numbers<[1], [1], [0], [0], [0, 0, 1, 0], [], []>, transpose_lhs_hint = false} : vector<512x64xbf16>, vector<32x64xbf16>, vector<512x32xf32> -> vector<512x32xf32>
    %mul3A_408 = arith.constant 1.250000e-01 : f32
    %mul3A_409 = vector.broadcast %mul3A_408 : f32 to vector<512x32xf32>
    %mul3A_410 = arith.mulf %dot_general3A_407, %mul3A_409 : vector<512x32xf32>
    %reduce_max3A_411 = arith.constant dense<0xFF800000> : vector<512xf32>
    %reduce_max3A_412 = vector.multi_reduction <maximumf>, %mul3A_410, %reduce_max3A_411 [1] : vector<512x32xf32> to vector<512xf32>
    %broadcast_in_dim3A_413 = vector.shape_cast %reduce_max3A_412 : vector<512xf32> to vector<512x1xf32>
    %sub3A_414 = vector.broadcast %broadcast_in_dim3A_413 : vector<512x1xf32> to vector<512x32xf32>
    %sub3A_415 = arith.subf %mul3A_410, %sub3A_414 : vector<512x32xf32>
    %exp3A_416 = math.exp %sub3A_415 : vector<512x32xf32>
    %reduce_sum3A_417 = arith.constant dense<0.000000e+00> : vector<512xf32>
    %reduce_sum3A_418 = vector.multi_reduction <add>, %exp3A_416, %reduce_sum3A_417 [1] : vector<512x32xf32> to vector<512xf32>
    %broadcast_in_dim3A_419 = vector.shape_cast %reduce_sum3A_418 : vector<512xf32> to vector<512x1xf32>
    %div3A_420 = vector.broadcast %broadcast_in_dim3A_419 : vector<512x1xf32> to vector<512x32xf32>
    %div3A_421 = arith.divf %exp3A_416, %div3A_420 : vector<512x32xf32>
    %convert_element_type3A_422 = arith.truncf %div3A_421 : vector<512x32xf32> to vector<512x32xbf16>
    %slice3A_423 = vector.extract_strided_slice %dot_general3A_34 {offsets = [0, 960], sizes = [32, 64], strides = [1, 1]} : vector<32x1024xf32> to vector<32x64xf32>
    %convert_element_type3A_424 = arith.truncf %slice3A_423 : vector<32x64xf32> to vector<32x64xbf16>
    %dot_general3A_425 = arith.constant dense<0.000000e+00> : vector<512x64xf32>
    %dot_general3A_426 = tpu.matmul %convert_element_type3A_422, %convert_element_type3A_424, %dot_general3A_425 {dimension_numbers = #tpu.dot_dimension_numbers<[1], [0], [0], [1], [0, 0, 1, 1], [], []>, transpose_lhs_hint = false} : vector<512x32xbf16>, vector<32x64xbf16>, vector<512x64xf32> -> vector<512x64xf32>
    %concatenate3A = tpu.concatenate %dot_general3A_51, %dot_general3A_76, %dot_general3A_101, %dot_general3A_126, %dot_general3A_151, %dot_general3A_176, %dot_general3A_201, %dot_general3A_226, %dot_general3A_251, %dot_general3A_276, %dot_general3A_301, %dot_general3A_326, %dot_general3A_351, %dot_general3A_376, %dot_general3A_401, %dot_general3A_426 in 1 : vector<512x64xf32>, vector<512x64xf32>, vector<512x64xf32>, vector<512x64xf32>, vector<512x64xf32>, vector<512x64xf32>, vector<512x64xf32>, vector<512x64xf32>, vector<512x64xf32>, vector<512x64xf32>, vector<512x64xf32>, vector<512x64xf32>, vector<512x64xf32>, vector<512x64xf32>, vector<512x64xf32>, vector<512x64xf32> -> vector<512x1024xf32>
    %convert_element_type3A_427 = arith.truncf %concatenate3A : vector<512x1024xf32> to vector<512x1024xbf16>
    %get3A_428 = arith.constant 0 : index
    %get3A_429 = arith.constant 0 : index
    %get3A_430 = vector.load %arg7[%get3A_428, %get3A_429] : memref<1024x1024xf32, #tpu.memory_space<vmem>>, vector<1024x1024xf32>
    %convert_element_type3A_431 = arith.truncf %get3A_430 : vector<1024x1024xf32> to vector<1024x1024xbf16>
    %dot_general3A_432 = arith.constant dense<0.000000e+00> : vector<512x1024xf32>
    %dot_general3A_433 = tpu.matmul %convert_element_type3A_427, %convert_element_type3A_431, %dot_general3A_432 {dimension_numbers = #tpu.dot_dimension_numbers<[1], [1], [0], [0], [0, 0, 1, 0], [], []>, transpose_lhs_hint = false} : vector<512x1024xbf16>, vector<1024x1024xbf16>, vector<512x1024xf32> -> vector<512x1024xf32>
    %mul3A_434 = vector.broadcast %logistic3A_11 : f32 to vector<512x1024xf32>
    %mul3A_435 = arith.mulf %mul3A_434, %dot_general3A_433 : vector<512x1024xf32>
    %add3A = arith.addf %get3A_3, %mul3A_435 : vector<512x1024xf32>
    %swap3A = arith.constant 0 : index
    %swap3A_436 = arith.constant 0 : index
    %swap3A_437 = arith.constant 0 : index
    %swap3A_438 = vector.load %arg9[%swap3A, %swap3A_436, %swap3A_437] : memref<1x512x1024xf32, #tpu.memory_space<vmem>>, vector<1x512x1024xf32>
    %swap3A_439 = vector.shape_cast %swap3A_438 : vector<1x512x1024xf32> to vector<512x1024xf32>
    %swap3A_440 = vector.shape_cast %add3A : vector<512x1024xf32> to vector<1x512x1024xf32>
    tpu.vector_store %arg9[%swap3A, %swap3A_436, %swap3A_437], %swap3A_440 {strides = array<i32>} : memref<1x512x1024xf32, #tpu.memory_space<vmem>>, vector<1x512x1024xf32>,
    return
  }
  func.func @transform_0(%arg0: i32, %arg1: i32) -> (i32, i32, i32) {
    %c0_i32 = arith.constant 0 : i32
    %c0_i32_0 = arith.constant 0 : i32
    return %arg0, %arg1, %c0_i32 : i32, i32, i32
  }
  func.func @transform_1(%arg0: i32, %arg1: i32) -> (i32, i32, i32) {
    %c0_i32 = arith.constant 0 : i32
    %c0_i32_0 = arith.constant 0 : i32
    %c0_i32_1 = arith.constant 0 : i32
    return %arg0, %c0_i32, %c0_i32_0 : i32, i32, i32
  }
  func.func @transform_2(%arg0: i32, %arg1: i32) -> (i32, i32) {
    %c0_i32 = arith.constant 0 : i32
    %c0_i32_0 = arith.constant 0 : i32
    %c0_i32_1 = arith.constant 0 : i32
    return %c0_i32, %c0_i32_0 : i32, i32
  }
  func.func @transform_3(%arg0: i32, %arg1: i32) -> (i32, i32) {
    %c0_i32 = arith.constant 0 : i32
    %c0_i32_0 = arith.constant 0 : i32
    %c0_i32_1 = arith.constant 0 : i32
    return %c0_i32, %c0_i32_0 : i32, i32
  }
  func.func @transform_4(%arg0: i32, %arg1: i32) -> (i32, i32) {
    %c0_i32 = arith.constant 0 : i32
    %c0_i32_0 = arith.constant 0 : i32
    %c0_i32_1 = arith.constant 0 : i32
    return %c0_i32, %c0_i32_0 : i32, i32
  }
  func.func @transform_5(%arg0: i32, %arg1: i32) -> (i32, i32) {
    %c0_i32 = arith.constant 0 : i32
    %c0_i32_0 = arith.constant 0 : i32
    %c0_i32_1 = arith.constant 0 : i32
    return %c0_i32, %c0_i32_0 : i32, i32
  }
  func.func @transform_6(%arg0: i32, %arg1: i32) -> (i32, i32) {
    %c0_i32 = arith.constant 0 : i32
    %c0_i32_0 = arith.constant 0 : i32
    %c0_i32_1 = arith.constant 0 : i32
    return %c0_i32, %c0_i32_0 : i32, i32
  }
  func.func @transform_7(%arg0: i32, %arg1: i32) -> (i32, i32, i32) {
    %c0_i32 = arith.constant 0 : i32
    %c0_i32_0 = arith.constant 0 : i32
    return %arg0, %arg1, %c0_i32 : i32, i32, i32
  }
}

</mosaic_0001>

<sc_bundles>
// kernel: kernel.5.cloned.1.call-start
scs
__scs_entry_jumppad:
0x0: {  	(pc) =	sbr.rel $0x88, $3  }
0x1: {  	(tag) =	ssettag $0x0;
	lr =	simm.s32 $0x1  }
0x2: {  	[smem:$0x3F99] =	sst lr;
	_ =	strace $0xD0000000  }
0x3: {  	_ = 	snop  }
0x4: {  	_ = 	snop  }
0x5: {  	_ = 	snop  }
0x6: {  	_ = 	snop  }
0x7: {  	_ = 	snop  }
__scs_overlays_trampoline_lowered:
0x8: {  	[smem:$0x3FA8] =	sst s0  }
0x9: {  	[smem:$0x3FA9] =	sst s1  }
0xa: {  	[smem:$0x3FAA] =	sst s2  }
0xb: {  	[smem:$0x3FAB] =	sst s3  }
0xc: {  	[smem:$0x3FAC] =	sst s4  }
0xd: {  	[smem:$0x3FAD] =	sst s5  }
0xe: {  	[smem:$0x3FAE] =	sst s6  }
0xf: {  	[smem:$0x3FAF] =	sst s7  }
0x10: {  	[smem:$0x3FB0] =	sst s8  }
0x11: {  	[smem:$0x3FB1] =	sst s9;
	s0 =	simm.s32 @!p0 $0x0  }
0x12: {  	s1 =	sld [smem:$0x3F97];
	s0 =	simm.s32 @p0 $0x1  }
0x13: {  	[smem:$0x3FB2] =	sst s0;
	s0 =	simm.s32 @!p1 $0x0  }
0x14: {  	s2 =	sld [smem:$0x3F96];
	s0 =	simm.s32 @p1 $0x1  }
0x15: {  	[smem:$0x3FB3] =	sst s0;
	s0 =	simm.s32 @!p2 $0x0  }
0x16: {  	s3 =	sld [smem:$0x3FDB];
	s0 =	simm.s32 @p2 $0x1  }
0x17: {  	s4 =	simm.s32 $0x1BF5;
	[smem:$0x3FB5] =	sst s0  }
0x18: {  	s0 =	sld [smem:$0x3F98];
	_ =	swait.ge [sflag:s4], $0x0  }
0x19: {  	s7 =	sld [smem:$0x3F99]  }
0x1a: {  	s8 =	sadd.s32 $0xFFFFE003, lr  }
0x1b: {  	s9 =	sadd.s32 $0xFFFFFEF7, lr;
	s5 =	simm.s32 $0xFFFFFFFF;
	p2 =	slt.u32 s8, $0xFFFFF086  }
0x1c: {  	p1 =	slt.u32 s9, $0xF7A;
	s5 =	simm.s32 @!p2 $0x0  }
0x1d: {  	s5 =	simm.s32 @p1 $0x1;
	p0 =	seq.s32 s7, s2  }
0x1e: {  	s7 =	smul.u32 @!p0 $0xF7A, s2;
	p2 =	seq.s32 @!p0 s5, $0x0  }
0x1f: {  	s9 =	smul.u32 $0xF7A, s1;
	s8 =	simm.s32 @!p0 $0x1BF5;
	p2 =	por !p2, p0  }
0x20: {  	[sflag:s8] =	ssyncset.s32 @!p0 $0xFFFFF086;
	s6 =	sadd.s32 @!p0 s3, s7;
	s7 =	simm.s32 @!p0 $0x108  }
0x21: {  	s3 =	sadd.s32 s3, s9;
	s6 =	sadd.s32 @!p0 $0x88, s6;
	s7 =	simm.s32 @p2 $0x1082  }
0x22: {  	[simem:s7], [sflag:s8] =	dma.local @!p0 [hbm:s6], $0xF7A  }
0x23: {  	s9 =	sor.u32 $0xD0000000, s2;
	s6 =	simm.s32 $0x108;
	_ =	swait.ge @!p0 [sflag:s8], $0x0  }
0x24: {  	s3 =	sadd.s32 $0x88, s3;
	s6 =	simm.s32 @!p1 $0x1082;
	[sflag:s4] =	ssyncset.s32 $0xFFFFF086  }
0x25: {  	[simem:s6], [sflag:s4] =	dma.local [hbm:s3], $0xF7A  }
0x26: {  	[smem:$0x3F99] =	sst s1;
	(tag) =	ssettag s2;
	_ =	strace s9  }
0x27: {  	s1 =	sld [smem:$0x3FA9]  }
0x28: {  	s2 =	sld [smem:$0x3FAA]  }
0x29: {  	s4 =	sld [smem:$0x3FAC]  }
0x2a: {  	p0 =	seq.s32 s5, $0x0;
	s5 =	sld [smem:$0x3FAD]  }
0x2b: {  	s6 =	sld [smem:$0x3FAE]  }
0x2c: {  	s7 =	sld [smem:$0x3FAF]  }
0x2d: {  	s3 =	simm.s32 $0x108;
	s8 =	sld [smem:$0x3FB0]  }
0x2e: {  	s3 =	simm.s32 @!p0 $0x1082;
	s9 =	sld [smem:$0x3FB1]  }
0x2f: {  	lr =	sadd.s32 s0, s3;
	s0 =	sld [smem:$0x3FA8]  }
0x30: {  	s3 =	sld [smem:$0x3FAB]  }
0x31: {  	[smem:$0x3FB4] =	sst s10  }
0x32: {  	s10 =	sld [smem:$0x3FB2];
	_ =	sdelay $0x3  }
0x33: {  	p0 =	seq.s32 s10, $0x1;
	s10 =	sld [smem:$0x3FB4];
	_ =	sdelay $0x3  }
0x34: {  	[smem:$0x3FB4] =	sst s10  }
0x35: {  	s10 =	sld [smem:$0x3FB3];
	_ =	sdelay $0x3  }
0x36: {  	p1 =	seq.s32 s10, $0x1;
	s10 =	sld [smem:$0x3FB4];
	_ =	sdelay $0x3  }
0x37: {  	[smem:$0x3FB4] =	sst s10  }
0x38: {  	s10 =	sld [smem:$0x3FB5]  }
0x39: {  	_ = 	snop;
	(pc) =	sbr.ind lr, $3  }
0x3a: {  	_ = 	snop  }
0x3b: {  	_ = 	snop  }
0x3c: {  	p2 =	seq.s32 s10, $0x1;
	s10 =	sld [smem:$0x3FB4]  }
0x3d: {  	_ =	shalt  }
0x3e: {  	_ =	shalt  }
0x3f: {  	_ =	shalt  }
0x40: {  	_ =	shalt  }
0x41: {  	_ =	shalt  }
0x42: {  	_ =	shalt  }
0x43: {  	_ =	shalt  }
0x44: {  	_ =	shalt  }
0x45: {  	_ =	shalt  }
0x46: {  	_ =	shalt  }
0x47: {  	_ =	shalt  }
0x48: {  	_ =	shalt  }
0x49: {  	_ =	shalt  }
0x4a: {  	_ =	shalt  }
0x4b: {  	_ =	shalt  }
0x4c: {  	_ =	shalt  }
0x4d: {  	_ =	shalt  }
0x4e: {  	_ =	shalt  }
0x4f: {  	_ =	shalt  }
0x50: {  	_ =	shalt  }
0x51: {  	_ =	shalt  }
0x52: {  	_ =	shalt  }
0x53: {  	_ =	shalt  }
0x54: {  	_ =	shalt  }
0x55: {  	_ =	shalt  }
0x56: {  	_ =	shalt  }
0x57: {  	_ =	shalt  }
0x58: {  	_ =	shalt  }
0x59: {  	_ =	shalt  }
0x5a: {  	_ =	shalt  }
0x5b: {  	_ =	shalt  }
0x5c: {  	_ =	shalt  }
0x5d: {  	_ =	shalt  }
0x5e: {  	_ =	shalt  }
0x5f: {  	_ =	shalt  }
0x60: {  	_ =	shalt  }
0x61: {  	_ =	shalt  }
0x62: {  	_ =	shalt  }
0x63: {  	_ =	shalt  }
0x64: {  	_ =	shalt  }
0x65: {  	_ =	shalt  }
0x66: {  	_ =	shalt  }
0x67: {  	_ =	shalt  }
0x68: {  	_ =	shalt  }
0x69: {  	_ =	shalt  }
0x6a: {  	_ =	shalt  }
0x6b: {  	_ =	shalt  }
0x6c: {  	_ =	shalt  }
0x6d: {  	_ =	shalt  }
0x6e: {  	_ =	shalt  }
0x6f: {  	_ =	shalt  }
0x70: {  	_ =	shalt  }
0x71: {  	_ =	shalt  }
0x72: {  	_ =	shalt  }
0x73: {  	_ =	shalt  }
0x74: {  	_ =	shalt  }
0x75: {  	_ =	shalt  }
0x76: {  	_ =	shalt  }
0x77: {  	_ =	shalt  }
0x78: {  	_ =	shalt  }
0x79: {  	_ =	shalt  }
0x7a: {  	_ =	shalt  }
0x7b: {  	_ =	shalt  }
0x7c: {  	_ =	shalt  }
0x7d: {  	_ =	shalt  }
0x7e: {  	_ =	shalt  }
0x7f: {  	_ =	shalt  }
0x80: {  	_ =	shalt  }
0x81: {  	_ =	shalt  }
0x82: {  	_ =	shalt  }
0x83: {  	_ =	shalt  }
0x84: {  	_ =	shalt  }
0x85: {  	_ =	shalt  }
0x86: {  	_ =	shalt  }
0x87: {  	_ =	shalt  }
.Lfunc_end0:
.L_simem_size_0:
called_computation_lowered:
.L_overlay_start_0:
0x88: {  	s2 =	sld [smem:$0x3FD9]  }
0x89: {  	s3 =	sld [smem:$0x3FFE];
	_ =	sdelay $0x1  }
0x8a: {  	s1 =	srdreg.scid  }
0x8b: {  	s0 =	sand.u32 $0x1, s1  }
0x8c: {  	s17 =	sshll.u32 s0, $0xA;
	s2 =	sadd.s32 s3, s2  }
0x8d: {  	s2 =	sadd.s32 s2, s17  }
0x8e: {  	[smem:$0x3FC0] =	sst s2  }
0x8f: {  	_ = 	snop  }
0x90: {  	s2 =	sld [smem:$0x3FC7]  }
0x91: {  	s18 =	sld [smem:$0x3FD0];
	(tm) =	ssettm $0x1  }
0x92: {  	s4 =	sld [smem:$0x3FFB];
	_ =	sdelay $0x3  }
0x93: {  	_ =	strace s4  }
0x94: {  	s4 =	sld [smem:$0x3FFC];
	_ =	sdelay $0x3  }
0x95: {  	_ =	strace s4  }
0x96: {  	s4 =	sld [smem:$0x3FFD];
	_ =	sdelay $0x3  }
0x97: {  	_ =	strace s4  }
0x98: {  	_ =	strace $0x8FFFFFFF  }
0x99: {  	s19 =	sld [smem:$0x3FDB];
	_ =	sdelay $0x1  }
0x9a: {  	s5 =	simm.s32 $_scs_section_size  }
0x9b: {  	s6 =	simm.s32 $_size__tile_overlayer_lowered;
	s7 =	simm.s32 $_tile_overlayer_lowered  }
0x9c: {  	s22 =	simm.s32 $0x1BFF;
	s21 =	sshll.u32 s7, $0x1;
	s4 =	sadd.s32 s5, s19  }
0x9d: {  	s8 =	simm.s32 $0x0;
	s20 =	sshll.u32 s6, $0x1;
	s6 =	sadd.s32 s21, s4  }
0x9e: {  	[timem:s8], [sflag:s22] =	dma.local [hbm:s6], s20  }
0x9f: {  	_ =	swait.ge [sflag:s22], s20  }
0xa0: {  	s5 =	ssub.s32 $0x0, s20;
	[sflag:s22] =	ssyncset.done $0x0  }
0xa1: {  	[sflag:s22] =	ssyncadd.s32 s5;
	_ =	sdelay $0x1  }
0xa2: {  	s23 =	simm.s32 $0x1B8B  }
0xa3: {  	_ =	swait.ge [sflag:s23], $0x1  }
0xa4: {  	[sflag:s23] =	ssyncset.done $0x0  }
0xa5: {  	s25 =	simm.s32 $0x1B8E;
	s24 =	sld [smem:$0x3FFE];
	[sflag:s23] =	ssyncadd.s32 $0xFFFFFFFF  }
0xa6: {  	s26 =	simm.s32 $execute0_lowered;
	[smem:$0x3FD2] =	sst s25  }
0xa7: {  	s6 =	sshll.u32 s26, $0x1;
	_ =	strace $0x80000046;
	[dreg:$0x1] =	wrdreg $0xFFFFFFFF  }
0xa8: {  	s28 =	simm.s32 $_size_execute0_lowered;
	s4 =	sadd.s32 s4, s6;
	[dreg:$0x0] =	wrdreg $0x0  }
0xa9: {  	s6 =	sshll.u32 s28, $0x1;
	[dreg:$0x2] =	wrdreg s4  }
0xaa: {  	[dreg:$0x3] =	wrdreg s6  }
0xab: {  	[dreg:$0x4] =	wrdreg $0xC0  }
0xac: {  	_ =	task [dreg:s8], $0x5FFFF  }
0xad: {  	[dreg:$0x1] =	wrdreg $0xFFFFFFFF  }
0xae: {  	[dreg:$0x0] =	wrdreg $0x60  }
0xaf: {  	[dreg:$0x2] =	wrdreg s18  }
0xb0: {  	[dreg:$0x3] =	wrdreg s2  }
0xb1: {  	[dreg:$0x4] =	wrdreg s24  }
0xb2: {  	[dreg:$0x5] =	wrdreg $0x32000  }
0xb3: {  	[dreg:$0x6] =	wrdreg $0x32200  }
0xb4: {  	[dreg:$0x7] =	wrdreg $0x9  }
0xb5: {  	_ =	task.clear_ibuf [dreg:s8], $0x8FFFF;
	_ =	strace $0x90000046  }
0xb6: {  	s29 =	simm.s32 $0x9;
	_ =	strace $0x80000048  }
0xb7: {  	_ =	swait.ge [sflag:s29], $0x1  }
0xb8: {  	[sflag:s29] =	ssyncadd.s32 $0xFFFFFFFF  }
0xb9: {  	_ =	strace $0x90000048  }
0xba: {  	_ =	sfence  }
0xbb: {  	s30 =	sld [smem:$0x0];
	_ =	sdelay $0x2  }
0xbc: {  	s31 =	sshll.u32 s1, $0xD;
	s1 =	sshrl.u32 s1, $0x2  }
0xbd: {  	s3 =	sand.u32 $0x4000, s31;
	s1 =	sadd.s32 s1, s30  }
0xbe: {  	s0 =	sor.u32 s3, s0;
	s1 =	sshll.u32 s1, $0x11  }
0xbf: {  	s0 =	sor.u32 s1, s0  }
0xc0: {  	s0 =	sadd.s32 $0x8F2B, s0  }
0xc1: {  	[sflag:s0] =	ssyncadd.remote.s32 $0x1  }
0xc2: {  	_ =	sfence.sel $0xFFFF  }
0xc3: {  	[dreg:$0x0] =	wrdreg $0xFFFFFFFF;
	(pc) =	sbr.abs _section_cstart, $3  }
0xc4: {  	[dreg:$0x1] =	wrdreg $0xFFFFFFFF  }
0xc5: {  	_ =	task.clear_ibuf [dreg:s8], $0x2FFFF;
	_ =	strace $0x9FFFFFFF  }
0xc6: {  	(tm) =	ssettm $0x7FFFFFFF  }
0xc7: {  	_ =	shalt  }
tec
execute0_lowered:
.L_overlay_start_1:
0x0: {  	(tag) =	ssettag $0x1  }
0x1: {  	s5 =	rddreg [dreg:$0x0]  }
0x2: {  	s1 =	rddreg [dreg:$0x1]  }
0x3: {  	s6 =	rddreg [dreg:$0x2]  }
0x4: {  	s2 =	rddreg [dreg:$0x3]  }
0x5: {  	s3 =	rddreg [dreg:$0x4]  }
0x6: {  	s7 =	srdreg.scid;
	s0 =	rddreg [dreg:$0x5]  }
0x7: {  	s4 =	simm.s32 $0x0;
	s12 =	stileid.u32;
	s14 =	simm.s32 $0x3240  }
0x8: {  	s15 =	simm.s32 $0x3440;
	s16 =	simm.s32 $0x3640;
	s18 =	simm.s32 $0x4640  }
0x9: {  	s19 =	simm.s32 $0x4E40;
	s21 =	simm.s32 $0x5E40;
	s22 =	simm.s32 $0x6640  }
0xa: {  	s23 =	simm.s32 $0x6E40;
	s24 =	simm.s32 $0x1;
	s25 =	simm.s32 $0x0  }
0xb: {  	s17 =	sand.u32 $0x1, s7;
	[smem:$0x7FF] =	sst s4;
	s10 =	smul.u32 $0x620, s12  }
0xc: {  	s20 =	smul.u32 $0x1880, s12;
	s31 =	sshll.u32 s12, $0x5;
	p0 =	sne.s32 s12, $0x0  }
0xd: {  	s12 =	simm.s32 $0x3100;
	s7 =	ssub.s32 $0x2, s17;
	s8 =	sshll.u32 s17, $0xB  }
.Ltmp0:
0xe: {  	_ =	strace $0x80000047;
	v0 =	vmov s17;
	s17 =	simm.s32 $0x3E40;
	(pc) =	sbr.rel .LBB2_1-.Ltmp0, $4  }
0xf: {  	s9 =	sshrl.u32 s7, $0x1;
	s11 =	sadd.s32 s8, s6;
	s5 =	sadd.s32 s5, s10  }
0x10: {  	v1 =	vlaneseq.u32;
	s6 =	sadd.s32 s31, s2;
	s8 =	sadd.s32 $0x100, s1;
	v2 =	vmov s20;
	s20 =	simm.s32 $0x5640  }
0x11: {  	vm0 =	vmmov $0xffff;
	v4 =	vshrl.u32 v1, $0x3;
	s13 =	ssub.s32 s7, s9;
	s7 =	sadd.s32 s31, s3;
	s9 =	sadd.s32 $0x1000, s11  }
0x12: {  	v3 =	vand.u32 $0x7, v1;
	v5 =	vor.u32 $0x8, v1;
	v4 =	vmul.u32 $0x8, v4;
	s11 =	simm.s32 $0x2;
	s10 =	smax.u32 s13, $0x1;
	s13 =	simm.s32 $0x3180  }
.LBB2_6:
0x13: {  	_ =	sdelay $0x7  }
0x14: {  	s28 =	spop @p1 (v2sf)  }
0x15: {  	s29 =	spop (v2sf);
	s26 =	smov.u32 @p1 s28  }
0x16: {  	p1 =	sgt.f32 s29, s26;
	_ =	sdelay $0x1  }
0x17: {  	vm1 =	vge.f32 @p1 v8, v11  }
0x18: {  	v12 =	vsel @p1 vm1, v11, v8;
	v13 =	vsel @p1 vm1, v10, v6  }
0x19: {  	(xrf1) =	vsort.dscd.msk.f32 @p1 $0xffff, v12, v13;
	_ =	sdelay $0xd  }
0x1a: {  	v12, v13, _ =	vpop @p1 (xrf1)  }
0x1b: {  	v8 =	vsel @p1 vm1, v8, v11;
	v10 =	vsel @p1 vm1, v6, v10;
	vm1 =	vge.f32 @p1 v9, v12  }
0x1c: {  	(xrf1) =	vsort.ascd.msk.f32 @p1 $0xffff, v8, v10;
	v8 =	vsel @p1 vm1, v9, v12;
	v9 =	vsel @p1 vm1, v7, v13  }
0x1d: {  	(xrf1) =	vsort.ascd.msk.f32 @p1 $0xffff, v8, v9;
	_ =	sdelay $0xc  }
0x1e: {  	v8, v9, _ =	vpop @p1 (xrf1)  }
0x1f: {  	v8, v10, _ =	vpop @p1 (xrf1)  }
0x20: {  	(v2sf) =	vpush @p1 v8, $0x0;
	_ =	sdelay $0xa  }
0x21: {  	v6 =	vpsel p1, v9, v6  }
0x22: {  	[tilespmem:$0x3190] =	vst v6;
	v7 =	vpsel p1, v10, v7  }
0x23: {  	[tilespmem:$0x3180] =	vst v7  }
0x24: {  	[spmem:s3] =	stream.linear.scatter [tilespmem:s13], [sflag:$0x2], $0x20, $0x38;
	[tilespmem:$0x7640] =	vst v63  }
0x25: {  	s26 =	spop @p1 (v2sf)  }
0x26: {  	_ =	swait.ge [sflag:s11], $0x20  }
0x27: {  	[sflag:s11] =	ssyncset.done $0x0  }
0x28: {  	[sflag:s11] =	ssyncadd.s32 $0xFFFFFFE0  }
0x29: {  	v6 =	vld [tilespmem:$0x3180];
	_ =	sdelay $0x4  }
0x2a: {  	v7 =	vshll.u32 v6, $0x2  }
0x2b: {  	v6 =	vand.u32 $0x7, v6;
	v7 =	vand.u32 $0xFFFFFFE0, v7  }
0x2c: {  	v6 =	vor.u32 v6, v7  }
0x2d: {  	v7 =	vperm.xlane v6, v3;
	_ =	sdelay $0x1  }
0x2e: {  	v7 =	vadd.s32 v4, v7;
	_ =	sdelay $0x1  }
0x2f: {  	v6 =	vperm.xlane v6, v5;
	_ =	sdelay $0x1  }
0x30: {  	v6 =	vadd.s32 v4, v6  }
0x31: {  	[tilespmem:s16], [sflag:$0x1] =	stream.indirect_vreg.gather [hbm4b:s1+s4], $0x80, v7, vm0, $0xb8;
	[tilespmem:$0x7640] =	vst v63  }
0x32: {  	_ = 	snop  }
0x33: {  	[tilespmem:s17], [sflag:$0x1] =	stream.indirect_vreg.gather [hbm4b:s8+s4], $0x80, v7, vm0, $0xb8;
	[tilespmem:$0x7640] =	vst v63  }
0x34: {  	_ = 	snop  }
0x35: {  	[tilespmem:s18], [sflag:$0x1] =	stream.indirect_vreg.gather [hbm4b:s1+s4], $0x80, v6, vm0, $0xb8;
	[tilespmem:$0x7640] =	vst v63  }
0x36: {  	_ = 	snop  }
0x37: {  	[tilespmem:s19], [sflag:$0x1] =	stream.indirect_vreg.gather [hbm4b:s8+s4], $0x80, v6, vm0, $0xb8;
	[tilespmem:$0x7640] =	vst v63  }
0x38: {  	v6 =	vld [tilespmem:$0x3190];
	_ =	sdelay $0x4  }
0x39: {  	v7 =	vshll.u32 v6, $0x2  }
0x3a: {  	v6 =	vand.u32 $0x7, v6;
	v7 =	vand.u32 $0xFFFFFFE0, v7  }
0x3b: {  	v6 =	vor.u32 v6, v7  }
0x3c: {  	v7 =	vperm.xlane v6, v3;
	_ =	sdelay $0x1  }
0x3d: {  	v7 =	vadd.s32 v4, v7;
	_ =	sdelay $0x1  }
0x3e: {  	v6 =	vperm.xlane v6, v5;
	_ =	sdelay $0x1  }
0x3f: {  	v6 =	vadd.s32 v4, v6  }
0x40: {  	[tilespmem:s20], [sflag:$0x1] =	stream.indirect_vreg.gather [hbm4b:s1+s4], $0x80, v7, vm0, $0xb8;
	[tilespmem:$0x7640] =	vst v63  }
0x41: {  	_ = 	snop  }
0x42: {  	[tilespmem:s21], [sflag:$0x1] =	stream.indirect_vreg.gather [hbm4b:s8+s4], $0x80, v7, vm0, $0xb8;
	[tilespmem:$0x7640] =	vst v63  }
0x43: {  	_ = 	snop  }
0x44: {  	[tilespmem:s22], [sflag:$0x1] =	stream.indirect_vreg.gather [hbm4b:s1+s4], $0x80, v6, vm0, $0xb8;
	[tilespmem:$0x7640] =	vst v63  }
0x45: {  	_ = 	snop  }
0x46: {  	[tilespmem:s23], [sflag:$0x1] =	stream.indirect_vreg.gather [hbm4b:s8+s4], $0x80, v6, vm0, $0xb8;
	[tilespmem:$0x7640] =	vst v63  }
0x47: {  	_ =	swait.ge [sflag:s24], $0x4000  }
0x48: {  	[sflag:s24] =	ssyncset.done $0x0  }
0x49: {  	[sflag:s24] =	ssyncadd.s32 $0xFFFFC000  }
0x4a: {  	[hbm4b:s9+s4] =	stream.linear.scatter [tilespmem:s16], [sflag:$0x2], $0x4000, $0x38;
	[tilespmem:$0x7640] =	vst v63  }
0x4b: {  	_ =	swait.ge [sflag:s11], $0x4000  }
0x4c: {  	[sflag:s11] =	ssyncset.done $0x0  }
0x4d: {  	[sflag:s11] =	ssyncadd.s32 $0xFFFFC000  }
.LBB2_7:
0x4e: {  	s25 =	sadd.s32 $0x1, s25  }
0x4f: {  	p1 =	sne.s32 s25, s10  }
.Ltmp1:
0x50: {  	_ = 	snop;
	(pc) =	sbr.rel @!p1 .LBB2_8-.Ltmp1, $1  }
0x51: {  	_ =	sdelay $0x3  }
.LBB2_1:
0x52: {  	v6 =	vor.u32 s4, v1  }
0x53: {  	v7 =	vshll.u32 v6, $0x1  }
0x54: {  	v7 =	vor.u32 v0, v7  }
0x55: {  	[tilespmem:s4], [sflag:$0x2] =	stream.linear.gather [hbm4b:s5+s4], $0x3100, $0x38;
	[tilespmem:$0x7640] =	vst v63  }
0x56: {  	_ =	swait.ge [sflag:s11], $0x3100  }
0x57: {  	[sflag:s11] =	ssyncset.done $0x0  }
0x58: {  	[sflag:s11] =	ssyncadd.s32 $0xFFFFCF00  }
0x59: {  	v7 =	vld.idx.msk [tilespmem:v7+s4+$0x0], $0xffff;
	_ =	sdelay $0x3  }
0x5a: {  	v6 =	vadd.s32 v2, v6  }
0x5b: {  	(xrf1) =	vsort.dscd.msk.f32 $0xffff, v7, v6;
	_ =	sdelay $0xd  }
0x5c: {  	v6, v7, _ =	vpop (xrf1)  }
0x5d: {  	(v2sf) =	vpush v6, $0x0;
	_ =	sdelay $0xe  }
0x5e: {  	s26 =	simm.f32 $-3.000000010e+38;
	s28 =	spop (v2sf)  }
0x5f: {  	p1 =	sgt.f32 s28, s26  }
0x60: {  	v8 =	vimm.f32 $-3.000000010e+38  }
0x61: {  	v12 =	vimm.s32 $0x0;
	vm1 =	vge.f32 @p1 v8, v6  }
0x62: {  	v9 =	vsel @p1 vm1, v6, v8;
	v10 =	vsel @p1 vm1, v7, v12  }
0x63: {  	(xrf1) =	vsort.dscd.msk.f32 @p1 $0xffff, v9, v10;
	_ =	sdelay $0xd  }
0x64: {  	v6 =	vsel @p1 vm1, v8, v6;
	v7 =	vsel @p1 vm1, v12, v7;
	v9, v10, _ =	vpop @p1 (xrf1)  }
0x65: {  	(xrf1) =	vsort.ascd.msk.f32 @p1 $0xffff, v6, v7;
	vm1 =	vge.f32 @p1 v8, v9  }
0x66: {  	s28 =	simm.s32 $0x10;
	v6 =	vsel @p1 vm1, v8, v9;
	v7 =	vsel @p1 vm1, v12, v10  }
0x67: {  	(xrf1) =	vsort.ascd.msk.f32 @p1 $0xffff, v6, v7;
	v6 =	vor.u32 s28, v1  }
0x68: {  	v7 =	vshll.u32 v6, $0x1  }
0x69: {  	v7 =	vor.u32 v0, v7;
	_ =	sdelay $0x4  }
0x6a: {  	v7 =	vld.idx.msk [tilespmem:v7+s4+$0x0], $0xffff;
	_ =	sdelay $0x3  }
0x6b: {  	v6 =	vadd.s32 v2, v6  }
0x6c: {  	v9, v10, _ =	vpop @p1 (xrf1);
	(xrf1) =	vsort.dscd.msk.f32 $0xffff, v7, v6;
	_ =	sdelay $0xc  }
0x6d: {  	v13, v14, _ =	vpop @p1 (xrf1)  }
0x6e: {  	v6 =	vpsel p1, v10, v12;
	(v2sf) =	vpush @p1 v13, $0x0;
	v11, v10, _ =	vpop (xrf1)  }
0x6f: {  	(v2sf) =	vpush v11, $0x0;
	_ =	sdelay $0xd  }
0x70: {  	s28 =	simm.s32 $0x20;
	v7 =	vpsel p1, v9, v8;
	v9 =	vpsel p1, v13, v8;
	v8 =	vpsel p1, v14, v12;
	s29 =	spop @p1 (v2sf)  }
.LBB2_2:
0x71: {  	s30 =	spop (v2sf)  }
0x72: {  	s26 =	smov.u32 @p1 s29;
	s29 =	smov.u32 s28;
	s28 =	sadd.s32 $0x10, s28  }
0x73: {  	p2 =	sne.s32 s28, $0x1880;
	p1 =	sgt.f32 s30, s26;
	_ =	sdelay $0x1  }
0x74: {  	vm1 =	vge.f32 @p1 v7, v11  }
0x75: {  	v12 =	vsel @p1 vm1, v7, v11;
	v11 =	vsel @p1 vm1, v11, v7;
	v13 =	vsel @p1 vm1, v10, v6  }
0x76: {  	v10 =	vsel @p1 vm1, v6, v10;
	(xrf1) =	vsort.dscd.msk.f32 @p1 $0xffff, v11, v13  }
0x77: {  	(xrf1) =	vsort.ascd.msk.f32 @p1 $0xffff, v12, v10;
	_ =	sdelay $0x3  }
0x78: {  	v10 =	vor.u32 s29, v1  }
0x79: {  	v11 =	vshll.u32 v10, $0x1  }
0x7a: {  	v11 =	vor.u32 v0, v11;
	_ =	sdelay $0x4  }
0x7b: {  	v11 =	vld.idx.msk [tilespmem:v11+s4+$0x0], $0xffff;
	_ =	sdelay $0x1  }
0x7c: {  	v12, v13, _ =	vpop @p1 (xrf1)  }
0x7d: {  	vm1 =	vge.f32 @p1 v9, v12;
	v14, v15, _ =	vpop @p1 (xrf1)  }
0x7e: {  	v12 =	vsel @p1 vm1, v9, v12;
	v13 =	vsel @p1 vm1, v8, v13;
	v7 =	vpsel p1, v14, v7  }
0x7f: {  	v10 =	vadd.s32 v2, v10;
	v6 =	vpsel p1, v15, v6;
	(xrf1) =	vsort.ascd.msk.f32 @p1 $0xffff, v12, v13  }
0x80: {  	(xrf1) =	vsort.dscd.msk.f32 $0xffff, v11, v10;
	_ =	sdelay $0xc  }
0x81: {  	v12, v13, _ =	vpop @p1 (xrf1)  }
0x82: {  	v11, v10, _ =	vpop (xrf1);
	v9 =	vpsel p1, v12, v9;
	v8 =	vpsel p1, v13, v8;
	(v2sf) =	vpush @p1 v12, $0x0  }
0x83: {  	(v2sf) =	vpush v11, $0x0;
	_ =	sdelay $0x9  }
.Ltmp2:
0x84: {  	(pc) =	sbr.rel @p2 .LBB2_2-.Ltmp2, $2  }
0x85: {  	_ =	sdelay $0x2  }
0x86: {  	s29 =	spop @p1 (v2sf)  }
0x87: {  	s28 =	spop (v2sf);
	s26 =	smov.u32 @p1 s29  }
0x88: {  	p1 =	sgt.f32 s28, s26;
	_ =	sdelay $0x1  }
0x89: {  	vm1 =	vge.f32 @p1 v7, v11  }
0x8a: {  	v12 =	vsel @p1 vm1, v11, v7;
	v13 =	vsel @p1 vm1, v10, v6  }
0x8b: {  	(xrf1) =	vsort.dscd.msk.f32 @p1 $0xffff, v12, v13;
	_ =	sdelay $0xd  }
0x8c: {  	v12, v13, _ =	vpop @p1 (xrf1)  }
0x8d: {  	v11 =	vsel @p1 vm1, v7, v11;
	v10 =	vsel @p1 vm1, v6, v10;
	vm1 =	vge.f32 @p1 v9, v12  }
0x8e: {  	(xrf1) =	vsort.ascd.msk.f32 @p1 $0xffff, v11, v10;
	v10 =	vsel @p1 vm1, v9, v12;
	v11 =	vsel @p1 vm1, v8, v13  }
0x8f: {  	(xrf1) =	vsort.ascd.msk.f32 @p1 $0xffff, v10, v11;
	_ =	sdelay $0xc  }
0x90: {  	v10, v11, _ =	vpop @p1 (xrf1)  }
0x91: {  	v12, v13, _ =	vpop @p1 (xrf1)  }
0x92: {  	(v2sf) =	vpush @p1 v12, $0x0;
	_ =	sdelay $0x8  }
0x93: {  	v7 =	vpsel p1, v10, v7  }
0x94: {  	v6 =	vpsel p1, v11, v6;
	[tilespmem:$0x3110] =	vst v7  }
0x95: {  	[tilespmem:$0x3190] =	vst v6;
	v62 =	vpsel p1, v12, v9  }
0x96: {  	v63 =	vpsel p1, v13, v8;
	[tilespmem:$0x3100] =	vst v62  }
0x97: {  	[tilespmem:$0x3180] =	vst v63  }
0x98: {  	[spmem:s6] =	stream.linear.scatter [tilespmem:s12], [sflag:$0x2], $0x20, $0x38;
	[tilespmem:$0x7640] =	vst v63  }
0x99: {  	s26 =	spop @p1 (v2sf)  }
0x9a: {  	_ =	swait.ge [sflag:s11], $0x20  }
0x9b: {  	[sflag:s11] =	ssyncset.done $0x0  }
0x9c: {  	[sflag:s11] =	ssyncadd.s32 $0xFFFFFFE0  }
0x9d: {  	[spmem:s7] =	stream.linear.scatter [tilespmem:s13], [sflag:$0x2], $0x20, $0x38;
	[tilespmem:$0x7640] =	vst v63  }
.Ltmp3:
0x9e: {  	_ =	swait.ge [sflag:s11], $0x20;
	(pc) =	sbr.rel @p0 .LBB2_7-.Ltmp3, $3  }
0x9f: {  	[sflag:s11] =	ssyncset.done $0x0  }
0xa0: {  	[sflag:s11] =	ssyncadd.s32 $0xFFFFFFE0  }
0xa1: {  	[bflag:$0x0] =	sbarrier.arrive $0xFFFF;
	_ =	sdelay $0x1  }
0xa2: {  	[tilespmem:s14], [sflag:$0x2] =	stream.linear.gather [spmem:s2], $0x200, $0x38;
	[tilespmem:$0x7640] =	vst v63  }
0xa3: {  	_ =	swait.ge [sflag:s11], $0x200  }
0xa4: {  	[sflag:s11] =	ssyncset.done $0x0  }
0xa5: {  	[sflag:s11] =	ssyncadd.s32 $0xFFFFFE00  }
0xa6: {  	[tilespmem:s15], [sflag:$0x2] =	stream.linear.gather [spmem:s3], $0x200, $0x38;
	[tilespmem:$0x7640] =	vst v63  }
0xa7: {  	_ =	swait.ge [sflag:s11], $0x200  }
0xa8: {  	[sflag:s11] =	ssyncset.done $0x0  }
0xa9: {  	s26 =	simm.s32 $0x0;
	[sflag:s11] =	ssyncadd.s32 $0xFFFFFE00  }
0xaa: {  	v6 =	vld [tilespmem:s26+$0x3240]  }
0xab: {  	v7 =	vld [tilespmem:s26+$0x3440];
	_ =	sdelay $0x4  }
0xac: {  	(xrf1) =	vsort.dscd.msk.f32 $0xffff, v6, v7;
	_ =	sdelay $0xd  }
0xad: {  	v6, v7, _ =	vpop (xrf1)  }
0xae: {  	(v2sf) =	vpush v6, $0x0;
	_ =	sdelay $0xe  }
0xaf: {  	s26 =	simm.f32 $-3.000000010e+38;
	s28 =	spop (v2sf)  }
0xb0: {  	p1 =	sgt.f32 s28, s26  }
0xb1: {  	v9 =	vimm.f32 $-3.000000010e+38  }
0xb2: {  	v12 =	vimm.s32 $0x0;
	vm1 =	vge.f32 @p1 v9, v6  }
0xb3: {  	v8 =	vsel @p1 vm1, v6, v9;
	v10 =	vsel @p1 vm1, v7, v12  }
0xb4: {  	(xrf1) =	vsort.dscd.msk.f32 @p1 $0xffff, v8, v10;
	_ =	sdelay $0xa  }
0xb5: {  	s28 =	simm.s32 $0x10  }
0xb6: {  	v8 =	vld [tilespmem:s28+$0x3240]  }
0xb7: {  	v10 =	vld [tilespmem:s28+$0x3440]  }
0xb8: {  	v11, v13, _ =	vpop @p1 (xrf1)  }
0xb9: {  	v6 =	vsel @p1 vm1, v9, v6;
	v7 =	vsel @p1 vm1, v12, v7;
	vm1 =	vge.f32 @p1 v9, v11  }
0xba: {  	(xrf1) =	vsort.ascd.msk.f32 @p1 $0xffff, v6, v7;
	v6 =	vsel @p1 vm1, v9, v11;
	v7 =	vsel @p1 vm1, v12, v13  }
0xbb: {  	(xrf1) =	vsort.ascd.msk.f32 @p1 $0xffff, v6, v7  }
0xbc: {  	(xrf1) =	vsort.dscd.msk.f32 $0xffff, v8, v10;
	_ =	sdelay $0xb  }
0xbd: {  	v6, v7, _ =	vpop @p1 (xrf1)  }
0xbe: {  	v13, v14, _ =	vpop @p1 (xrf1)  }
0xbf: {  	v11, v10, _ =	vpop (xrf1);
	(v2sf) =	vpush @p1 v13, $0x0  }
0xc0: {  	(v2sf) =	vpush v11, $0x0;
	_ =	sdelay $0x3  }
0xc1: {  	v8 =	vpsel p1, v6, v9  }
0xc2: {  	s28 =	simm.s32 $0x80;
	v6 =	vpsel p1, v7, v12;
	v9 =	vpsel p1, v13, v9;
	v7 =	vpsel p1, v14, v12  }
.LBB2_5:
0xc3: {  	_ =	sdelay $0x7  }
0xc4: {  	s30 =	smov.u32 s28;
	s28 =	sadd.s32 $0x40, s28;
	s29 =	spop @p1 (v2sf)  }
0xc5: {  	p2 =	sne.s32 s28, $0x800;
	s31 =	spop (v2sf);
	s26 =	smov.u32 @p1 s29  }
0xc6: {  	p1 =	sgt.f32 s31, s26;
	_ =	sdelay $0x1  }
0xc7: {  	vm1 =	vge.f32 @p1 v8, v11  }
0xc8: {  	v12 =	vsel @p1 vm1, v8, v11;
	v11 =	vsel @p1 vm1, v11, v8;
	v13 =	vsel @p1 vm1, v10, v6  }
0xc9: {  	v10 =	vsel @p1 vm1, v6, v10;
	(xrf1) =	vsort.dscd.msk.f32 @p1 $0xffff, v11, v13  }
0xca: {  	(xrf1) =	vsort.ascd.msk.f32 @p1 $0xffff, v12, v10;
	_ =	sdelay $0x9  }
0xcb: {  	s29 =	sshra.s32 s30, $0x2  }
0xcc: {  	v10 =	vld [tilespmem:s29+$0x3240]  }
0xcd: {  	v11 =	vld [tilespmem:s29+$0x3440]  }
0xce: {  	v12, v13, _ =	vpop @p1 (xrf1)  }
0xcf: {  	vm1 =	vge.f32 @p1 v9, v12;
	v14, v15, _ =	vpop @p1 (xrf1)  }
0xd0: {  	v12 =	vsel @p1 vm1, v9, v12;
	v13 =	vsel @p1 vm1, v7, v13;
	v8 =	vpsel p1, v14, v8  }
0xd1: {  	v6 =	vpsel p1, v15, v6;
	(xrf1) =	vsort.ascd.msk.f32 @p1 $0xffff, v12, v13  }
0xd2: {  	(xrf1) =	vsort.dscd.msk.f32 $0xffff, v10, v11;
	_ =	sdelay $0xa  }
.Ltmp4:
0xd3: {  	(pc) =	sbr.rel @p2 .LBB2_5-.Ltmp4, $4  }
0xd4: {  	_ = 	snop  }
0xd5: {  	v12, v13, _ =	vpop @p1 (xrf1)  }
0xd6: {  	v11, v10, _ =	vpop (xrf1);
	v9 =	vpsel p1, v12, v9;
	v7 =	vpsel p1, v13, v7;
	(v2sf) =	vpush @p1 v12, $0x0  }
0xd7: {  	(v2sf) =	vpush v11, $0x0  }
.Ltmp5:
0xd8: {  	_ = 	snop;
	(pc) =	sbr.rel .LBB2_6-.Ltmp5, $1  }
0xd9: {  	_ =	sdelay $0x3  }
.LBB2_8:
0xda: {  	_ =	sfence.sel $0x180000  }
0xdb: {  	[bflag:$0x0] =	sbarrier.arrive $0xFFFF  }
0xdc: {  	_ =	strace $0x90000047  }
0xdd: {  	s0 =	sadd.s32 @!p0 $0x100000, s0;
	[bflag:$0x2] =	sbarrier.arrive $0xFFFF  }
0xde: {  	[sflag:s0] =	ssyncadd.tile.s32 @!p0 $0x1;
	_ =	shalt  }
.Lfunc_end2:
_tile_overlayer_lowered:
.L_overlay_start_2:
0xdf: {  	(tag) =	ssettag $0x2  }
0xe0: {  	s0 =	rddreg [dreg:$0x0];
	s2 =	stileid.u32  }
0xe1: {  	s1 =	rddreg [dreg:$0x1];
	p0 =	sne.s32 s2, $0x0  }
0xe2: {  	s3 =	rddreg [dreg:$0x2];
	[bflag:$0x3] =	sbarrier.arrive $0xFFFF;
	s2 =	simm.s32 @!p0 $0x1C02  }
0xe3: {  	[timem:s3], [sflag:s2] =	dma.local @!p0 [hbm:s0], s1  }
0xe4: {  	s0 =	simm.s32 @!p0 $0x2  }
0xe5: {  	_ =	swait.ge @!p0 [sflag:s0], s1  }
0xe6: {  	s1 =	ssub.s32 @!p0 $0x0, s1;
	[sflag:s0] =	ssyncset.done @!p0 $0x0  }
0xe7: {  	[sflag:s0] =	ssyncadd.s32 @!p0 s1  }
0xe8: {  	[bflag:$0x3] =	sbarrier.arrive $0xFFFF  }
0xe9: {  	_ =	shalt  }

</sc_bundles>
